<compile_context>
chip_gen: v7x
topology: tpu7x:2x2x1
jax: 0.10.2.dev20260603
libtpu: 0.0.44.dev20260713+nightly
codegen_flags: <defaults>
</compile_context>

<pallas_src>
import functools

import jax
import jax.numpy as jnp
from jax import lax
from jax.experimental import pallas as pl
from jax.experimental.pallas import tpu as pltpu
from jax.experimental.pallas import tpu_sc as plsc

VOCAB = 100000
HIDDEN = 128
MAXLEN = 200
BATCH = 1024

NTOK = BATCH * MAXLEN
NW = 32
TOK_PER_W = NTOK // NW
C = 128
NCHUNK = TOK_PER_W // C
NLANE = 16
NBUF = 5
NSTEP = NCHUNK + 2
NITER = -(-NSTEP // NBUF)


def _addtab_body(seg_ref, pos_ref, out_ref):
    out_ref[0:MAXLEN, :] = pos_ref[...] + seg_ref[0:1, :]
    out_ref[MAXLEN : 2 * MAXLEN, :] = pos_ref[...] + seg_ref[1:2, :]


def _build_addtab(segment_table, pos_w):
    return pl.pallas_call(
        _addtab_body,
        out_shape=jax.ShapeDtypeStruct((2 * MAXLEN, HIDDEN), jnp.float32),
    )(segment_table, pos_w)


_mesh = plsc.VectorSubcoreMesh(core_axis_name="c", subcore_axis_name="s")


@functools.partial(
    pl.kernel,
    mesh=_mesh,
    out_type=jax.ShapeDtypeStruct((NTOK, HIDDEN), jnp.float32),
    scratch_types=[
        pltpu.VMEM((TOK_PER_W,), jnp.int32),
        pltpu.VMEM((TOK_PER_W,), jnp.int32),
    ]
    + [pltpu.VMEM((C, HIDDEN), jnp.float32) for _ in range(NBUF)]
    + [pltpu.VMEM_SHARED((2 * MAXLEN, HIDDEN), jnp.float32)]
    + [pltpu.SemaphoreType.DMA for _ in range(3 * NBUF)],
)
def _emb(tok_tab, add_tab, tok_idx, seg_idx, out, tidx_v, aidx_v, *scr):
    rows = scr[:NBUF]
    addtab_sh = scr[NBUF]
    sem_g = scr[NBUF + 1 : 2 * NBUF + 1]
    sem_a = scr[2 * NBUF + 1 : 3 * NBUF + 1]
    sem_s = scr[3 * NBUF + 1 :]
    wid = lax.axis_index("s") * 2 + lax.axis_index("c")
    tok0 = wid * TOK_PER_W

    pltpu.sync_copy(tok_idx.at[pl.ds(tok0, TOK_PER_W)], tidx_v)
    pltpu.sync_copy(seg_idx.at[pl.ds(tok0, TOK_PER_W)], aidx_v)

    def pidx_body(v, carry):
        sl = pl.ds(v * NLANE, NLANE)
        g = v * NLANE + lax.iota(jnp.int32, NLANE)
        aidx_v[sl] = aidx_v[sl] * MAXLEN + lax.rem(g, MAXLEN)
        return carry

    lax.fori_loop(0, TOK_PER_W // NLANE, pidx_body, 0)

    @pl.when(lax.axis_index("s") == 0)
    def _():
        pltpu.sync_copy(add_tab, addtab_sh)

    plsc.subcore_barrier()

    def step_body(it, carry):
        for b in range(NBUF):
            s = it * NBUF + b
            bg, ba, bs = b, (b - 1) % NBUF, (b - 2) % NBUF

            @pl.when(jnp.logical_and(s >= NBUF, s < NCHUNK))
            def _():
                pltpu.make_async_copy(
                    rows[bg], out.at[pl.ds(0, C)], sem_s[bg]
                ).wait()

            @pl.when(s < NCHUNK)
            def _():
                pltpu.async_copy(
                    tok_tab.at[tidx_v.at[pl.ds(s * C, C)]], rows[bg], sem_g[bg]
                )

            @pl.when(jnp.logical_and(s >= 1, s <= NCHUNK))
            def _():
                c1 = s - 1
                pltpu.make_async_copy(
                    tok_tab.at[tidx_v.at[pl.ds(0, C)]], rows[ba], sem_g[ba]
                ).wait()
                pltpu.async_copy(
                    addtab_sh.at[aidx_v.at[pl.ds(c1 * C, C)]],
                    rows[ba],
                    sem_a[ba],
                    add=True,
                )

            @pl.when(jnp.logical_and(s >= 2, s <= NCHUNK + 1))
            def _():
                c2 = s - 2
                pltpu.make_async_copy(
                    addtab_sh.at[aidx_v.at[pl.ds(0, C)]], rows[bs], sem_a[bs]
                ).wait()
                pltpu.async_copy(rows[bs], out.at[pl.ds(tok0 + c2 * C, C)], sem_s[bs])

        return carry

    lax.fori_loop(0, NITER, step_body, 0)

    for c in range(NCHUNK - NBUF, NCHUNK):
        pltpu.make_async_copy(
            rows[c % NBUF], out.at[pl.ds(0, C)], sem_s[c % NBUF]
        ).wait()


def kernel(tokens, segments, token_table, segment_table, pos_w):
    tok_idx = tokens.astype(jnp.int32).reshape(NTOK)
    seg_idx = segments.astype(jnp.int32).reshape(NTOK)
    addtab = _build_addtab(segment_table, pos_w)
    out = _emb(token_table, addtab, tok_idx, seg_idx)
    return out.reshape(BATCH, MAXLEN, HIDDEN)

# --- scband reference (transcript-rebuilt; emitter-appended) ---
"""Pipeline reference for scband-bertencoder-32908039422191 (READ-ONLY COPY).

The authoritative reference and input builder live on the scoring server;
editing this copy changes nothing except your own understanding.
"""

import jax, jax.numpy as jnp
import numpy as np

VOCAB = 100000
HIDDEN = 128
MAXLEN = 200
BATCH = 1024

def setup_inputs(seed: int = 0) -> dict:
    key = jax.random.key(seed)
    k1, k2, k3, k4, k5 = jax.random.split(key, 5)
    tokens = jax.random.randint(k1, (BATCH, MAXLEN), 0, VOCAB, dtype=jnp.int64 if jax.config.jax_enable_x64 else jnp.int32)
    segments = jax.random.randint(k2, (BATCH, MAXLEN), 0, 2, dtype=jnp.int64 if jax.config.jax_enable_x64 else jnp.int32)
    token_table = jax.random.normal(k3, (VOCAB, HIDDEN), dtype=jnp.float32) * 0.02
    segment_table = jax.random.normal(k4, (2, HIDDEN), dtype=jnp.float32) * 0.02
    pos_w = jnp.zeros((MAXLEN, HIDDEN), dtype=jnp.float32)  # AddParameter initialized with zeros
    return {"tokens": tokens, "segments": segments, "token_table": token_table, "segment_table": segment_table, "pos_w": pos_w}

def reference(tokens, segments, token_table, segment_table, pos_w):
    # random_error op is a fault-injection identity op; treated as identity.
    # X = token_embedding(tokens)
    X = jnp.take(token_table, tokens, axis=0)
    # X = X + segment_embedding(segments)
    X = X + jnp.take(segment_table, segments, axis=0)
    # X = pos_embedding(X) -> X + learned positional weight broadcast over batch
    X = X + pos_w[None, :, :]
    return X

if __name__ == "__main__":
    import jax
    _d = setup_inputs()
    print(jax.jit(kernel)(*tuple(_d.values())))

</pallas_src>

<mosaic_0001>
#map = affine_map<(d0, d1) -> (0, 0)>
#map1 = affine_map<(d0, d1) -> (0)>
module attributes {stable_mosaic.version = 14 : i64} {
  func.func @_emb(%arg0: i32, %arg1: i32, %arg2: memref<100000x128xf32, #tpu.memory_space<hbm>>, %arg3: memref<400x128xf32, #tpu.memory_space<hbm>>, %arg4: memref<204800xi32, #tpu.memory_space<hbm>>, %arg5: memref<204800xi32, #tpu.memory_space<hbm>>, %arg6: memref<204800x128xf32, #tpu.memory_space<hbm>>, %arg7: memref<6400xi32, #tpu.memory_space<vmem>>, %arg8: memref<6400xi32, #tpu.memory_space<vmem>>, %arg9: memref<128x128xf32, #tpu.memory_space<vmem>>, %arg10: memref<128x128xf32, #tpu.memory_space<vmem>>, %arg11: memref<128x128xf32, #tpu.memory_space<vmem>>, %arg12: memref<128x128xf32, #tpu.memory_space<vmem>>, %arg13: memref<128x128xf32, #tpu.memory_space<vmem>>, %arg14: memref<400x128xf32, #tpu.memory_space<vmem_shared>>, %arg15: memref<!tpu.dma_semaphore, #tpu.memory_space<semaphore_mem>>, %arg16: memref<!tpu.dma_semaphore, #tpu.memory_space<semaphore_mem>>, %arg17: memref<!tpu.dma_semaphore, #tpu.memory_space<semaphore_mem>>, %arg18: memref<!tpu.dma_semaphore, #tpu.memory_space<semaphore_mem>>, %arg19: memref<!tpu.dma_semaphore, #tpu.memory_space<semaphore_mem>>, %arg20: memref<!tpu.dma_semaphore, #tpu.memory_space<semaphore_mem>>, %arg21: memref<!tpu.dma_semaphore, #tpu.memory_space<semaphore_mem>>, %arg22: memref<!tpu.dma_semaphore, #tpu.memory_space<semaphore_mem>>, %arg23: memref<!tpu.dma_semaphore, #tpu.memory_space<semaphore_mem>>, %arg24: memref<!tpu.dma_semaphore, #tpu.memory_space<semaphore_mem>>, %arg25: memref<!tpu.dma_semaphore, #tpu.memory_space<semaphore_mem>>, %arg26: memref<!tpu.dma_semaphore, #tpu.memory_space<semaphore_mem>>, %arg27: memref<!tpu.dma_semaphore, #tpu.memory_space<semaphore_mem>>, %arg28: memref<!tpu.dma_semaphore, #tpu.memory_space<semaphore_mem>>, %arg29: memref<!tpu.dma_semaphore, #tpu.memory_space<semaphore_mem>>) attributes {dimension_semantics = [#tpu.dimension_semantics<core_parallel>, #tpu.dimension_semantics<subcore_parallel>], iteration_bounds = array<i64: 2, 16>, scalar_prefetch = 0 : i64, scratch_operands = 23 : i64, tpu.core_type = #tpu.core_type<sc_vector_subcore>, window_params = [{transform_indices = #map}, {transform_indices = #map}, {transform_indices = #map1}, {transform_indices = #map1}, {transform_indices = #map}]} {
    %mul3A = arith.constant 2 : i32
    %mul3A_0 = arith.muli %arg1, %mul3A : i32
    %add3A = arith.addi %mul3A_0, %arg0 : i32
    %mul3A_1 = arith.constant 6400 : i32
    %mul3A_2 = arith.muli %add3A, %mul3A_1 : i32
    "tpu.region"() ({
      %run_scoped3A = tpu.sem_alloc : memref<!tpu.dma_semaphore, #tpu.memory_space<semaphore_mem>>
      %dma_start3A = tpu.memref_slice %arg4[%mul3A_2] : memref<204800xi32, #tpu.memory_space<hbm>> -> memref<6400xi32, #tpu.memory_space<hbm>>
      %dma_start3A_45 = tpu.memref_slice %arg4[%mul3A_2] : memref<204800xi32, #tpu.memory_space<hbm>> -> memref<6400xi32, #tpu.memory_space<hbm>>
      tpu.enqueue_dma source(%dma_start3A_45 : memref<6400xi32, #tpu.memory_space<hbm>>) target(%arg7 : memref<6400xi32, #tpu.memory_space<vmem>>) target_semaphore(%run_scoped3A : memref<!tpu.dma_semaphore, #tpu.memory_space<semaphore_mem>>)
      %dma_wait3A_46 = tpu.memref_slice %arg4[%mul3A_2] : memref<204800xi32, #tpu.memory_space<hbm>> -> memref<6400xi32, #tpu.memory_space<hbm>>
      %dma_wait3A_47 = tpu.memref_slice %arg4[%mul3A_2] : memref<204800xi32, #tpu.memory_space<hbm>> -> memref<6400xi32, #tpu.memory_space<hbm>>
      tpu.wait_dma2 semaphore(%run_scoped3A : memref<!tpu.dma_semaphore, #tpu.memory_space<semaphore_mem>>) src(%dma_wait3A_47 : memref<6400xi32, #tpu.memory_space<hbm>>) dst(%arg7 : memref<6400xi32, #tpu.memory_space<vmem>>)
      tpu.yield
    }) : () -> ()
    "tpu.region"() ({
      %run_scoped3A = tpu.sem_alloc : memref<!tpu.dma_semaphore, #tpu.memory_space<semaphore_mem>>
      %dma_start3A = tpu.memref_slice %arg5[%mul3A_2] : memref<204800xi32, #tpu.memory_space<hbm>> -> memref<6400xi32, #tpu.memory_space<hbm>>
      %dma_start3A_45 = tpu.memref_slice %arg5[%mul3A_2] : memref<204800xi32, #tpu.memory_space<hbm>> -> memref<6400xi32, #tpu.memory_space<hbm>>
      tpu.enqueue_dma source(%dma_start3A_45 : memref<6400xi32, #tpu.memory_space<hbm>>) target(%arg8 : memref<6400xi32, #tpu.memory_space<vmem>>) target_semaphore(%run_scoped3A : memref<!tpu.dma_semaphore, #tpu.memory_space<semaphore_mem>>)
      %dma_wait3A_46 = tpu.memref_slice %arg5[%mul3A_2] : memref<204800xi32, #tpu.memory_space<hbm>> -> memref<6400xi32, #tpu.memory_space<hbm>>
      %dma_wait3A_47 = tpu.memref_slice %arg5[%mul3A_2] : memref<204800xi32, #tpu.memory_space<hbm>> -> memref<6400xi32, #tpu.memory_space<hbm>>
      tpu.wait_dma2 semaphore(%run_scoped3A : memref<!tpu.dma_semaphore, #tpu.memory_space<semaphore_mem>>) src(%dma_wait3A_47 : memref<6400xi32, #tpu.memory_space<hbm>>) dst(%arg8 : memref<6400xi32, #tpu.memory_space<vmem>>)
      tpu.yield
    }) : () -> ()
    %scan3A = arith.constant 0 : i32
    %scan3A_3 = arith.constant 0 : i32
    %scan3A_4 = arith.constant 400 : i32
    %scan3A_5 = arith.addi %scan3A_3, %scan3A_4 : i32
    %scan3A_6 = arith.constant 1 : i32
    scf.for %scan3A_45 = %scan3A_3 to %scan3A_5 step %scan3A_6  : i32 {
      %mul3A_46 = arith.constant 16 : i32
      %mul3A_47 = arith.muli %scan3A_45, %mul3A_46 : i32
      %mul3A_48 = arith.constant 16 : i32
      %mul3A_49 = arith.muli %scan3A_45, %mul3A_48 : i32
      %iota3A = tpu.iota {dimensions = array<i32: 0>} : vector<16xi32>
      %add3A_50 = vector.broadcast %mul3A_49 : i32 to vector<16xi32>
      %add3A_51 = arith.addi %add3A_50, %iota3A : vector<16xi32>
      %get3A = arith.index_cast %mul3A_47 : i32 to index
      %get3A_52 = tpu.vector_load %arg8[%get3A] {strides = array<i32>} : memref<6400xi32, #tpu.memory_space<vmem>>, vector<16xi32>,
      %get3A_53 = vector.shape_cast %get3A_52 : vector<16xi32> to vector<16xi32>
      %mul3A_54 = arith.constant 200 : i32
      %mul3A_55 = vector.broadcast %mul3A_54 : i32 to vector<16xi32>
      %mul3A_56 = arith.muli %get3A_53, %mul3A_55 : vector<16xi32>
      %rem3A = arith.constant 200 : i32
      %rem3A_57 = vector.broadcast %rem3A : i32 to vector<16xi32>
      %rem3A_58 = arith.remsi %add3A_51, %rem3A_57 : vector<16xi32>
      %add3A_59 = arith.addi %mul3A_56, %rem3A_58 : vector<16xi32>
      %swap3A = arith.index_cast %mul3A_47 : i32 to index
      %swap3A_60 = tpu.vector_load %arg8[%swap3A] {strides = array<i32>} : memref<6400xi32, #tpu.memory_space<vmem>>, vector<16xi32>,
      %swap3A_61 = vector.shape_cast %swap3A_60 : vector<16xi32> to vector<16xi32>
      %swap3A_62 = vector.shape_cast %add3A_59 : vector<16xi32> to vector<16xi32>
      tpu.vector_store %arg8[%swap3A], %swap3A_62 {strides = array<i32>} : memref<6400xi32, #tpu.memory_space<vmem>>, vector<16xi32>,
    }
    %scan3A_7 = arith.constant 400 : i32
    %eq3A = arith.constant 0 : i32
    %eq3A_8 = arith.cmpi eq, %arg1, %eq3A : i32
    %convert_element_type3A = arith.extui %eq3A_8 : i1 to i32
    %cond3A = arith.constant 0 : i32
    %cond3A_9 = arith.cmpi ne, %convert_element_type3A, %cond3A : i32
    scf.if %cond3A_9 {
      "tpu.region"() ({
        %run_scoped3A = tpu.sem_alloc : memref<!tpu.dma_semaphore, #tpu.memory_space<semaphore_mem>>
        tpu.enqueue_dma source(%arg3 : memref<400x128xf32, #tpu.memory_space<hbm>>) target(%arg14 : memref<400x128xf32, #tpu.memory_space<vmem_shared>>) target_semaphore(%run_scoped3A : memref<!tpu.dma_semaphore, #tpu.memory_space<semaphore_mem>>)
        tpu.wait_dma2 semaphore(%run_scoped3A : memref<!tpu.dma_semaphore, #tpu.memory_space<semaphore_mem>>) src(%arg3 : memref<400x128xf32, #tpu.memory_space<hbm>>) dst(%arg14 : memref<400x128xf32, #tpu.memory_space<vmem_shared>>)
        tpu.yield
      }) : () -> ()
    } else {
    }
    %barrier3A = arith.constant 0 : index
    tpu.barrier barrier_id(%barrier3A)
    %scan3A_10 = arith.constant 0 : i32
    %scan3A_11 = arith.constant 0 : i32
    %scan3A_12 = arith.constant 11 : i32
    %scan3A_13 = arith.addi %scan3A_11, %scan3A_12 : i32
    %scan3A_14 = arith.constant 1 : i32
    scf.for %scan3A_45 = %scan3A_11 to %scan3A_13 step %scan3A_14  : i32 {
      %mul3A_46 = arith.constant 5 : i32
      %mul3A_47 = arith.muli %scan3A_45, %mul3A_46 : i32
      %add3A_48 = arith.constant 0 : i32
      %add3A_49 = arith.addi %mul3A_47, %add3A_48 : i32
      %ge3A = arith.constant 5 : i32
      %ge3A_50 = arith.cmpi sge, %add3A_49, %ge3A : i32
      %lt3A = arith.constant 50 : i32
      %lt3A_51 = arith.cmpi slt, %add3A_49, %lt3A : i32
      %and3A = arith.andi %ge3A_50, %lt3A_51 : i1
      %convert_element_type3A_52 = arith.extui %and3A : i1 to i32
      %cond3A_53 = arith.constant 0 : i32
      %cond3A_54 = arith.cmpi ne, %convert_element_type3A_52, %cond3A_53 : i32
      scf.if %cond3A_54 {
        %dma_wait3A_207 = arith.constant 0 : i32
        %dma_wait3A_208 = arith.constant 0 : i32
        %dma_wait3A_209 = tpu.memref_slice %arg6[%dma_wait3A_207, %dma_wait3A_208] : memref<204800x128xf32, #tpu.memory_space<hbm>> -> memref<128x128xf32, #tpu.memory_space<hbm>>
        %dma_wait3A_210 = arith.constant 0 : i32
        %dma_wait3A_211 = arith.constant 0 : i32
        %dma_wait3A_212 = tpu.memref_slice %arg6[%dma_wait3A_210, %dma_wait3A_211] : memref<204800x128xf32, #tpu.memory_space<hbm>> -> memref<128x128xf32, #tpu.memory_space<hbm>>
        tpu.wait_dma2 semaphore(%arg25 : memref<!tpu.dma_semaphore, #tpu.memory_space<semaphore_mem>>) src(%arg9 : memref<128x128xf32, #tpu.memory_space<vmem>>) dst(%dma_wait3A_212 : memref<128x128xf32, #tpu.memory_space<hbm>>)
      } else {
      }
      %lt3A_55 = arith.constant 50 : i32
      %lt3A_56 = arith.cmpi slt, %add3A_49, %lt3A_55 : i32
      %convert_element_type3A_57 = arith.extui %lt3A_56 : i1 to i32
      %cond3A_58 = arith.constant 0 : i32
      %cond3A_59 = arith.cmpi ne, %convert_element_type3A_57, %cond3A_58 : i32
      scf.if %cond3A_59 {
        %mul3A_207 = arith.constant 128 : i32
        %mul3A_208 = arith.muli %add3A_49, %mul3A_207 : i32
        %dma_start3A = tpu.memref_slice %arg7[%mul3A_208] : memref<6400xi32, #tpu.memory_space<vmem>> -> memref<128xi32, #tpu.memory_space<vmem>>
        %dma_start3A_209 = arith.constant 0 : i32
        %dma_start3A_210 = arith.constant 0 : i32
        %dma_start3A_211 = tpu.memref_slice %arg2[%dma_start3A_209, %dma_start3A_210] : memref<100000x128xf32, #tpu.memory_space<hbm>> -> memref<100000x128xf32, #tpu.memory_space<hbm>>
        tpu.enqueue_indirect_dma source(%dma_start3A_211 : memref<100000x128xf32, #tpu.memory_space<hbm>>) target(%arg9 : memref<128x128xf32, #tpu.memory_space<vmem>>) offsets(%dma_start3A : memref<128xi32, #tpu.memory_space<vmem>>) semaphore(%arg15 : memref<!tpu.dma_semaphore, #tpu.memory_space<semaphore_mem>>)
      } else {
      }
      %ge3A_60 = arith.constant 1 : i32
      %ge3A_61 = arith.cmpi sge, %add3A_49, %ge3A_60 : i32
      %le3A = arith.constant 50 : i32
      %le3A_62 = arith.cmpi sle, %add3A_49, %le3A : i32
      %and3A_63 = arith.andi %ge3A_61, %le3A_62 : i1
      %convert_element_type3A_64 = arith.extui %and3A_63 : i1 to i32
      %cond3A_65 = arith.constant 0 : i32
      %cond3A_66 = arith.cmpi ne, %convert_element_type3A_64, %cond3A_65 : i32
      scf.if %cond3A_66 {
        %sub3A = arith.constant 1 : i32
        %sub3A_207 = arith.subi %add3A_49, %sub3A : i32
        %dma_wait3A_208 = arith.constant 0 : i32
        %dma_wait3A_209 = tpu.memref_slice %arg7[%dma_wait3A_208] : memref<6400xi32, #tpu.memory_space<vmem>> -> memref<128xi32, #tpu.memory_space<vmem>>
        %dma_wait3A_210 = arith.constant 0 : i32
        %dma_wait3A_211 = arith.constant 0 : i32
        %dma_wait3A_212 = tpu.memref_slice %arg2[%dma_wait3A_210, %dma_wait3A_211] : memref<100000x128xf32, #tpu.memory_space<hbm>> -> memref<100000x128xf32, #tpu.memory_space<hbm>>
        tpu.wait_indirect_dma semaphore(%arg19 : memref<!tpu.dma_semaphore, #tpu.memory_space<semaphore_mem>>) src(%dma_wait3A_212 : memref<100000x128xf32, #tpu.memory_space<hbm>>) dst(%arg13 : memref<128x128xf32, #tpu.memory_space<vmem>>)
        %mul3A_213 = arith.constant 128 : i32
        %mul3A_214 = arith.muli %sub3A_207, %mul3A_213 : i32
        %dma_start3A = tpu.memref_slice %arg8[%mul3A_214] : memref<6400xi32, #tpu.memory_space<vmem>> -> memref<128xi32, #tpu.memory_space<vmem>>
        %dma_start3A_215 = arith.constant 0 : i32
        %dma_start3A_216 = arith.constant 0 : i32
        %dma_start3A_217 = tpu.memref_slice %arg14[%dma_start3A_215, %dma_start3A_216] : memref<400x128xf32, #tpu.memory_space<vmem_shared>> -> memref<400x128xf32, #tpu.memory_space<vmem_shared>>
        tpu.enqueue_indirect_dma source(%dma_start3A_217 : memref<400x128xf32, #tpu.memory_space<vmem_shared>>) target(%arg13 : memref<128x128xf32, #tpu.memory_space<vmem>>) offsets(%dma_start3A : memref<128xi32, #tpu.memory_space<vmem>>) semaphore(%arg24 : memref<!tpu.dma_semaphore, #tpu.memory_space<semaphore_mem>>) {add = true}
      } else {
      }
      %ge3A_67 = arith.constant 2 : i32
      %ge3A_68 = arith.cmpi sge, %add3A_49, %ge3A_67 : i32
      %le3A_69 = arith.constant 51 : i32
      %le3A_70 = arith.cmpi sle, %add3A_49, %le3A_69 : i32
      %and3A_71 = arith.andi %ge3A_68, %le3A_70 : i1
      %convert_element_type3A_72 = arith.extui %and3A_71 : i1 to i32
      %cond3A_73 = arith.constant 0 : i32
      %cond3A_74 = arith.cmpi ne, %convert_element_type3A_72, %cond3A_73 : i32
      scf.if %cond3A_74 {
        %sub3A = arith.constant 2 : i32
        %sub3A_207 = arith.subi %add3A_49, %sub3A : i32
        %dma_wait3A_208 = arith.constant 0 : i32
        %dma_wait3A_209 = tpu.memref_slice %arg8[%dma_wait3A_208] : memref<6400xi32, #tpu.memory_space<vmem>> -> memref<128xi32, #tpu.memory_space<vmem>>
        %dma_wait3A_210 = arith.constant 0 : i32
        %dma_wait3A_211 = arith.constant 0 : i32
        %dma_wait3A_212 = tpu.memref_slice %arg14[%dma_wait3A_210, %dma_wait3A_211] : memref<400x128xf32, #tpu.memory_space<vmem_shared>> -> memref<400x128xf32, #tpu.memory_space<vmem_shared>>
        tpu.wait_indirect_dma semaphore(%arg23 : memref<!tpu.dma_semaphore, #tpu.memory_space<semaphore_mem>>) src(%dma_wait3A_212 : memref<400x128xf32, #tpu.memory_space<vmem_shared>>) dst(%arg12 : memref<128x128xf32, #tpu.memory_space<vmem>>)
        %mul3A_213 = arith.constant 128 : i32
        %mul3A_214 = arith.muli %sub3A_207, %mul3A_213 : i32
        %add3A_215 = arith.addi %mul3A_2, %mul3A_214 : i32
        %dma_start3A = arith.constant 0 : i32
        %dma_start3A_216 = tpu.memref_slice %arg6[%add3A_215, %dma_start3A] : memref<204800x128xf32, #tpu.memory_space<hbm>> -> memref<128x128xf32, #tpu.memory_space<hbm>>
        %dma_start3A_217 = arith.constant 0 : i32
        %dma_start3A_218 = tpu.memref_slice %arg6[%add3A_215, %dma_start3A_217] : memref<204800x128xf32, #tpu.memory_space<hbm>> -> memref<128x128xf32, #tpu.memory_space<hbm>>
        tpu.enqueue_dma source(%arg12 : memref<128x128xf32, #tpu.memory_space<vmem>>) target(%dma_start3A_218 : memref<128x128xf32, #tpu.memory_space<hbm>>) target_semaphore(%arg28 : memref<!tpu.dma_semaphore, #tpu.memory_space<semaphore_mem>>)
      } else {
      }
      %mul3A_75 = arith.constant 5 : i32
      %mul3A_76 = arith.muli %scan3A_45, %mul3A_75 : i32
      %add3A_77 = arith.constant 1 : i32
      %add3A_78 = arith.addi %mul3A_76, %add3A_77 : i32
      %ge3A_79 = arith.constant 5 : i32
      %ge3A_80 = arith.cmpi sge, %add3A_78, %ge3A_79 : i32
      %lt3A_81 = arith.constant 50 : i32
      %lt3A_82 = arith.cmpi slt, %add3A_78, %lt3A_81 : i32
      %and3A_83 = arith.andi %ge3A_80, %lt3A_82 : i1
      %convert_element_type3A_84 = arith.extui %and3A_83 : i1 to i32
      %cond3A_85 = arith.constant 0 : i32
      %cond3A_86 = arith.cmpi ne, %convert_element_type3A_84, %cond3A_85 : i32
      scf.if %cond3A_86 {
        %dma_wait3A_207 = arith.constant 0 : i32
        %dma_wait3A_208 = arith.constant 0 : i32
        %dma_wait3A_209 = tpu.memref_slice %arg6[%dma_wait3A_207, %dma_wait3A_208] : memref<204800x128xf32, #tpu.memory_space<hbm>> -> memref<128x128xf32, #tpu.memory_space<hbm>>
        %dma_wait3A_210 = arith.constant 0 : i32
        %dma_wait3A_211 = arith.constant 0 : i32
        %dma_wait3A_212 = tpu.memref_slice %arg6[%dma_wait3A_210, %dma_wait3A_211] : memref<204800x128xf32, #tpu.memory_space<hbm>> -> memref<128x128xf32, #tpu.memory_space<hbm>>
        tpu.wait_dma2 semaphore(%arg26 : memref<!tpu.dma_semaphore, #tpu.memory_space<semaphore_mem>>) src(%arg10 : memref<128x128xf32, #tpu.memory_space<vmem>>) dst(%dma_wait3A_212 : memref<128x128xf32, #tpu.memory_space<hbm>>)
      } else {
      }
      %lt3A_87 = arith.constant 50 : i32
      %lt3A_88 = arith.cmpi slt, %add3A_78, %lt3A_87 : i32
      %convert_element_type3A_89 = arith.extui %lt3A_88 : i1 to i32
      %cond3A_90 = arith.constant 0 : i32
      %cond3A_91 = arith.cmpi ne, %convert_element_type3A_89, %cond3A_90 : i32
      scf.if %cond3A_91 {
        %mul3A_207 = arith.constant 128 : i32
        %mul3A_208 = arith.muli %add3A_78, %mul3A_207 : i32
        %dma_start3A = tpu.memref_slice %arg7[%mul3A_208] : memref<6400xi32, #tpu.memory_space<vmem>> -> memref<128xi32, #tpu.memory_space<vmem>>
        %dma_start3A_209 = arith.constant 0 : i32
        %dma_start3A_210 = arith.constant 0 : i32
        %dma_start3A_211 = tpu.memref_slice %arg2[%dma_start3A_209, %dma_start3A_210] : memref<100000x128xf32, #tpu.memory_space<hbm>> -> memref<100000x128xf32, #tpu.memory_space<hbm>>
        tpu.enqueue_indirect_dma source(%dma_start3A_211 : memref<100000x128xf32, #tpu.memory_space<hbm>>) target(%arg10 : memref<128x128xf32, #tpu.memory_space<vmem>>) offsets(%dma_start3A : memref<128xi32, #tpu.memory_space<vmem>>) semaphore(%arg16 : memref<!tpu.dma_semaphore, #tpu.memory_space<semaphore_mem>>)
      } else {
      }
      %ge3A_92 = arith.constant 1 : i32
      %ge3A_93 = arith.cmpi sge, %add3A_78, %ge3A_92 : i32
      %le3A_94 = arith.constant 50 : i32
      %le3A_95 = arith.cmpi sle, %add3A_78, %le3A_94 : i32
      %and3A_96 = arith.andi %ge3A_93, %le3A_95 : i1
      %convert_element_type3A_97 = arith.extui %and3A_96 : i1 to i32
      %cond3A_98 = arith.constant 0 : i32
      %cond3A_99 = arith.cmpi ne, %convert_element_type3A_97, %cond3A_98 : i32
      scf.if %cond3A_99 {
        %sub3A = arith.constant 1 : i32
        %sub3A_207 = arith.subi %add3A_78, %sub3A : i32
        %dma_wait3A_208 = arith.constant 0 : i32
        %dma_wait3A_209 = tpu.memref_slice %arg7[%dma_wait3A_208] : memref<6400xi32, #tpu.memory_space<vmem>> -> memref<128xi32, #tpu.memory_space<vmem>>
        %dma_wait3A_210 = arith.constant 0 : i32
        %dma_wait3A_211 = arith.constant 0 : i32
        %dma_wait3A_212 = tpu.memref_slice %arg2[%dma_wait3A_210, %dma_wait3A_211] : memref<100000x128xf32, #tpu.memory_space<hbm>> -> memref<100000x128xf32, #tpu.memory_space<hbm>>
        tpu.wait_indirect_dma semaphore(%arg15 : memref<!tpu.dma_semaphore, #tpu.memory_space<semaphore_mem>>) src(%dma_wait3A_212 : memref<100000x128xf32, #tpu.memory_space<hbm>>) dst(%arg9 : memref<128x128xf32, #tpu.memory_space<vmem>>)
        %mul3A_213 = arith.constant 128 : i32
        %mul3A_214 = arith.muli %sub3A_207, %mul3A_213 : i32
        %dma_start3A = tpu.memref_slice %arg8[%mul3A_214] : memref<6400xi32, #tpu.memory_space<vmem>> -> memref<128xi32, #tpu.memory_space<vmem>>
        %dma_start3A_215 = arith.constant 0 : i32
        %dma_start3A_216 = arith.constant 0 : i32
        %dma_start3A_217 = tpu.memref_slice %arg14[%dma_start3A_215, %dma_start3A_216] : memref<400x128xf32, #tpu.memory_space<vmem_shared>> -> memref<400x128xf32, #tpu.memory_space<vmem_shared>>
        tpu.enqueue_indirect_dma source(%dma_start3A_217 : memref<400x128xf32, #tpu.memory_space<vmem_shared>>) target(%arg9 : memref<128x128xf32, #tpu.memory_space<vmem>>) offsets(%dma_start3A : memref<128xi32, #tpu.memory_space<vmem>>) semaphore(%arg20 : memref<!tpu.dma_semaphore, #tpu.memory_space<semaphore_mem>>) {add = true}
      } else {
      }
      %ge3A_100 = arith.constant 2 : i32
      %ge3A_101 = arith.cmpi sge, %add3A_78, %ge3A_100 : i32
      %le3A_102 = arith.constant 51 : i32
      %le3A_103 = arith.cmpi sle, %add3A_78, %le3A_102 : i32
      %and3A_104 = arith.andi %ge3A_101, %le3A_103 : i1
      %convert_element_type3A_105 = arith.extui %and3A_104 : i1 to i32
      %cond3A_106 = arith.constant 0 : i32
      %cond3A_107 = arith.cmpi ne, %convert_element_type3A_105, %cond3A_106 : i32
      scf.if %cond3A_107 {
        %sub3A = arith.constant 2 : i32
        %sub3A_207 = arith.subi %add3A_78, %sub3A : i32
        %dma_wait3A_208 = arith.constant 0 : i32
        %dma_wait3A_209 = tpu.memref_slice %arg8[%dma_wait3A_208] : memref<6400xi32, #tpu.memory_space<vmem>> -> memref<128xi32, #tpu.memory_space<vmem>>
        %dma_wait3A_210 = arith.constant 0 : i32
        %dma_wait3A_211 = arith.constant 0 : i32
        %dma_wait3A_212 = tpu.memref_slice %arg14[%dma_wait3A_210, %dma_wait3A_211] : memref<400x128xf32, #tpu.memory_space<vmem_shared>> -> memref<400x128xf32, #tpu.memory_space<vmem_shared>>
        tpu.wait_indirect_dma semaphore(%arg24 : memref<!tpu.dma_semaphore, #tpu.memory_space<semaphore_mem>>) src(%dma_wait3A_212 : memref<400x128xf32, #tpu.memory_space<vmem_shared>>) dst(%arg13 : memref<128x128xf32, #tpu.memory_space<vmem>>)
        %mul3A_213 = arith.constant 128 : i32
        %mul3A_214 = arith.muli %sub3A_207, %mul3A_213 : i32
        %add3A_215 = arith.addi %mul3A_2, %mul3A_214 : i32
        %dma_start3A = arith.constant 0 : i32
        %dma_start3A_216 = tpu.memref_slice %arg6[%add3A_215, %dma_start3A] : memref<204800x128xf32, #tpu.memory_space<hbm>> -> memref<128x128xf32, #tpu.memory_space<hbm>>
        %dma_start3A_217 = arith.constant 0 : i32
        %dma_start3A_218 = tpu.memref_slice %arg6[%add3A_215, %dma_start3A_217] : memref<204800x128xf32, #tpu.memory_space<hbm>> -> memref<128x128xf32, #tpu.memory_space<hbm>>
        tpu.enqueue_dma source(%arg13 : memref<128x128xf32, #tpu.memory_space<vmem>>) target(%dma_start3A_218 : memref<128x128xf32, #tpu.memory_space<hbm>>) target_semaphore(%arg29 : memref<!tpu.dma_semaphore, #tpu.memory_space<semaphore_mem>>)
      } else {
      }
      %mul3A_108 = arith.constant 5 : i32
      %mul3A_109 = arith.muli %scan3A_45, %mul3A_108 : i32
      %add3A_110 = arith.constant 2 : i32
      %add3A_111 = arith.addi %mul3A_109, %add3A_110 : i32
      %ge3A_112 = arith.constant 5 : i32
      %ge3A_113 = arith.cmpi sge, %add3A_111, %ge3A_112 : i32
      %lt3A_114 = arith.constant 50 : i32
      %lt3A_115 = arith.cmpi slt, %add3A_111, %lt3A_114 : i32
      %and3A_116 = arith.andi %ge3A_113, %lt3A_115 : i1
      %convert_element_type3A_117 = arith.extui %and3A_116 : i1 to i32
      %cond3A_118 = arith.constant 0 : i32
      %cond3A_119 = arith.cmpi ne, %convert_element_type3A_117, %cond3A_118 : i32
      scf.if %cond3A_119 {
        %dma_wait3A_207 = arith.constant 0 : i32
        %dma_wait3A_208 = arith.constant 0 : i32
        %dma_wait3A_209 = tpu.memref_slice %arg6[%dma_wait3A_207, %dma_wait3A_208] : memref<204800x128xf32, #tpu.memory_space<hbm>> -> memref<128x128xf32, #tpu.memory_space<hbm>>
        %dma_wait3A_210 = arith.constant 0 : i32
        %dma_wait3A_211 = arith.constant 0 : i32
        %dma_wait3A_212 = tpu.memref_slice %arg6[%dma_wait3A_210, %dma_wait3A_211] : memref<204800x128xf32, #tpu.memory_space<hbm>> -> memref<128x128xf32, #tpu.memory_space<hbm>>
        tpu.wait_dma2 semaphore(%arg27 : memref<!tpu.dma_semaphore, #tpu.memory_space<semaphore_mem>>) src(%arg11 : memref<128x128xf32, #tpu.memory_space<vmem>>) dst(%dma_wait3A_212 : memref<128x128xf32, #tpu.memory_space<hbm>>)
      } else {
      }
      %lt3A_120 = arith.constant 50 : i32
      %lt3A_121 = arith.cmpi slt, %add3A_111, %lt3A_120 : i32
      %convert_element_type3A_122 = arith.extui %lt3A_121 : i1 to i32
      %cond3A_123 = arith.constant 0 : i32
      %cond3A_124 = arith.cmpi ne, %convert_element_type3A_122, %cond3A_123 : i32
      scf.if %cond3A_124 {
        %mul3A_207 = arith.constant 128 : i32
        %mul3A_208 = arith.muli %add3A_111, %mul3A_207 : i32
        %dma_start3A = tpu.memref_slice %arg7[%mul3A_208] : memref<6400xi32, #tpu.memory_space<vmem>> -> memref<128xi32, #tpu.memory_space<vmem>>
        %dma_start3A_209 = arith.constant 0 : i32
        %dma_start3A_210 = arith.constant 0 : i32
        %dma_start3A_211 = tpu.memref_slice %arg2[%dma_start3A_209, %dma_start3A_210] : memref<100000x128xf32, #tpu.memory_space<hbm>> -> memref<100000x128xf32, #tpu.memory_space<hbm>>
        tpu.enqueue_indirect_dma source(%dma_start3A_211 : memref<100000x128xf32, #tpu.memory_space<hbm>>) target(%arg11 : memref<128x128xf32, #tpu.memory_space<vmem>>) offsets(%dma_start3A : memref<128xi32, #tpu.memory_space<vmem>>) semaphore(%arg17 : memref<!tpu.dma_semaphore, #tpu.memory_space<semaphore_mem>>)
      } else {
      }
      %ge3A_125 = arith.constant 1 : i32
      %ge3A_126 = arith.cmpi sge, %add3A_111, %ge3A_125 : i32
      %le3A_127 = arith.constant 50 : i32
      %le3A_128 = arith.cmpi sle, %add3A_111, %le3A_127 : i32
      %and3A_129 = arith.andi %ge3A_126, %le3A_128 : i1
      %convert_element_type3A_130 = arith.extui %and3A_129 : i1 to i32
      %cond3A_131 = arith.constant 0 : i32
      %cond3A_132 = arith.cmpi ne, %convert_element_type3A_130, %cond3A_131 : i32
      scf.if %cond3A_132 {
        %sub3A = arith.constant 1 : i32
        %sub3A_207 = arith.subi %add3A_111, %sub3A : i32
        %dma_wait3A_208 = arith.constant 0 : i32
        %dma_wait3A_209 = tpu.memref_slice %arg7[%dma_wait3A_208] : memref<6400xi32, #tpu.memory_space<vmem>> -> memref<128xi32, #tpu.memory_space<vmem>>
        %dma_wait3A_210 = arith.constant 0 : i32
        %dma_wait3A_211 = arith.constant 0 : i32
        %dma_wait3A_212 = tpu.memref_slice %arg2[%dma_wait3A_210, %dma_wait3A_211] : memref<100000x128xf32, #tpu.memory_space<hbm>> -> memref<100000x128xf32, #tpu.memory_space<hbm>>
        tpu.wait_indirect_dma semaphore(%arg16 : memref<!tpu.dma_semaphore, #tpu.memory_space<semaphore_mem>>) src(%dma_wait3A_212 : memref<100000x128xf32, #tpu.memory_space<hbm>>) dst(%arg10 : memref<128x128xf32, #tpu.memory_space<vmem>>)
        %mul3A_213 = arith.constant 128 : i32
        %mul3A_214 = arith.muli %sub3A_207, %mul3A_213 : i32
        %dma_start3A = tpu.memref_slice %arg8[%mul3A_214] : memref<6400xi32, #tpu.memory_space<vmem>> -> memref<128xi32, #tpu.memory_space<vmem>>
        %dma_start3A_215 = arith.constant 0 : i32
        %dma_start3A_216 = arith.constant 0 : i32
        %dma_start3A_217 = tpu.memref_slice %arg14[%dma_start3A_215, %dma_start3A_216] : memref<400x128xf32, #tpu.memory_space<vmem_shared>> -> memref<400x128xf32, #tpu.memory_space<vmem_shared>>
        tpu.enqueue_indirect_dma source(%dma_start3A_217 : memref<400x128xf32, #tpu.memory_space<vmem_shared>>) target(%arg10 : memref<128x128xf32, #tpu.memory_space<vmem>>) offsets(%dma_start3A : memref<128xi32, #tpu.memory_space<vmem>>) semaphore(%arg21 : memref<!tpu.dma_semaphore, #tpu.memory_space<semaphore_mem>>) {add = true}
      } else {
      }
      %ge3A_133 = arith.constant 2 : i32
      %ge3A_134 = arith.cmpi sge, %add3A_111, %ge3A_133 : i32
      %le3A_135 = arith.constant 51 : i32
      %le3A_136 = arith.cmpi sle, %add3A_111, %le3A_135 : i32
      %and3A_137 = arith.andi %ge3A_134, %le3A_136 : i1
      %convert_element_type3A_138 = arith.extui %and3A_137 : i1 to i32
      %cond3A_139 = arith.constant 0 : i32
      %cond3A_140 = arith.cmpi ne, %convert_element_type3A_138, %cond3A_139 : i32
      scf.if %cond3A_140 {
        %sub3A = arith.constant 2 : i32
        %sub3A_207 = arith.subi %add3A_111, %sub3A : i32
        %dma_wait3A_208 = arith.constant 0 : i32
        %dma_wait3A_209 = tpu.memref_slice %arg8[%dma_wait3A_208] : memref<6400xi32, #tpu.memory_space<vmem>> -> memref<128xi32, #tpu.memory_space<vmem>>
        %dma_wait3A_210 = arith.constant 0 : i32
        %dma_wait3A_211 = arith.constant 0 : i32
        %dma_wait3A_212 = tpu.memref_slice %arg14[%dma_wait3A_210, %dma_wait3A_211] : memref<400x128xf32, #tpu.memory_space<vmem_shared>> -> memref<400x128xf32, #tpu.memory_space<vmem_shared>>
        tpu.wait_indirect_dma semaphore(%arg20 : memref<!tpu.dma_semaphore, #tpu.memory_space<semaphore_mem>>) src(%dma_wait3A_212 : memref<400x128xf32, #tpu.memory_space<vmem_shared>>) dst(%arg9 : memref<128x128xf32, #tpu.memory_space<vmem>>)
        %mul3A_213 = arith.constant 128 : i32
        %mul3A_214 = arith.muli %sub3A_207, %mul3A_213 : i32
        %add3A_215 = arith.addi %mul3A_2, %mul3A_214 : i32
        %dma_start3A = arith.constant 0 : i32
        %dma_start3A_216 = tpu.memref_slice %arg6[%add3A_215, %dma_start3A] : memref<204800x128xf32, #tpu.memory_space<hbm>> -> memref<128x128xf32, #tpu.memory_space<hbm>>
        %dma_start3A_217 = arith.constant 0 : i32
        %dma_start3A_218 = tpu.memref_slice %arg6[%add3A_215, %dma_start3A_217] : memref<204800x128xf32, #tpu.memory_space<hbm>> -> memref<128x128xf32, #tpu.memory_space<hbm>>
        tpu.enqueue_dma source(%arg9 : memref<128x128xf32, #tpu.memory_space<vmem>>) target(%dma_start3A_218 : memref<128x128xf32, #tpu.memory_space<hbm>>) target_semaphore(%arg25 : memref<!tpu.dma_semaphore, #tpu.memory_space<semaphore_mem>>)
      } else {
      }
      %mul3A_141 = arith.constant 5 : i32
      %mul3A_142 = arith.muli %scan3A_45, %mul3A_141 : i32
      %add3A_143 = arith.constant 3 : i32
      %add3A_144 = arith.addi %mul3A_142, %add3A_143 : i32
      %ge3A_145 = arith.constant 5 : i32
      %ge3A_146 = arith.cmpi sge, %add3A_144, %ge3A_145 : i32
      %lt3A_147 = arith.constant 50 : i32
      %lt3A_148 = arith.cmpi slt, %add3A_144, %lt3A_147 : i32
      %and3A_149 = arith.andi %ge3A_146, %lt3A_148 : i1
      %convert_element_type3A_150 = arith.extui %and3A_149 : i1 to i32
      %cond3A_151 = arith.constant 0 : i32
      %cond3A_152 = arith.cmpi ne, %convert_element_type3A_150, %cond3A_151 : i32
      scf.if %cond3A_152 {
        %dma_wait3A_207 = arith.constant 0 : i32
        %dma_wait3A_208 = arith.constant 0 : i32
        %dma_wait3A_209 = tpu.memref_slice %arg6[%dma_wait3A_207, %dma_wait3A_208] : memref<204800x128xf32, #tpu.memory_space<hbm>> -> memref<128x128xf32, #tpu.memory_space<hbm>>
        %dma_wait3A_210 = arith.constant 0 : i32
        %dma_wait3A_211 = arith.constant 0 : i32
        %dma_wait3A_212 = tpu.memref_slice %arg6[%dma_wait3A_210, %dma_wait3A_211] : memref<204800x128xf32, #tpu.memory_space<hbm>> -> memref<128x128xf32, #tpu.memory_space<hbm>>
        tpu.wait_dma2 semaphore(%arg28 : memref<!tpu.dma_semaphore, #tpu.memory_space<semaphore_mem>>) src(%arg12 : memref<128x128xf32, #tpu.memory_space<vmem>>) dst(%dma_wait3A_212 : memref<128x128xf32, #tpu.memory_space<hbm>>)
      } else {
      }
      %lt3A_153 = arith.constant 50 : i32
      %lt3A_154 = arith.cmpi slt, %add3A_144, %lt3A_153 : i32
      %convert_element_type3A_155 = arith.extui %lt3A_154 : i1 to i32
      %cond3A_156 = arith.constant 0 : i32
      %cond3A_157 = arith.cmpi ne, %convert_element_type3A_155, %cond3A_156 : i32
      scf.if %cond3A_157 {
        %mul3A_207 = arith.constant 128 : i32
        %mul3A_208 = arith.muli %add3A_144, %mul3A_207 : i32
        %dma_start3A = tpu.memref_slice %arg7[%mul3A_208] : memref<6400xi32, #tpu.memory_space<vmem>> -> memref<128xi32, #tpu.memory_space<vmem>>
        %dma_start3A_209 = arith.constant 0 : i32
        %dma_start3A_210 = arith.constant 0 : i32
        %dma_start3A_211 = tpu.memref_slice %arg2[%dma_start3A_209, %dma_start3A_210] : memref<100000x128xf32, #tpu.memory_space<hbm>> -> memref<100000x128xf32, #tpu.memory_space<hbm>>
        tpu.enqueue_indirect_dma source(%dma_start3A_211 : memref<100000x128xf32, #tpu.memory_space<hbm>>) target(%arg12 : memref<128x128xf32, #tpu.memory_space<vmem>>) offsets(%dma_start3A : memref<128xi32, #tpu.memory_space<vmem>>) semaphore(%arg18 : memref<!tpu.dma_semaphore, #tpu.memory_space<semaphore_mem>>)
      } else {
      }
      %ge3A_158 = arith.constant 1 : i32
      %ge3A_159 = arith.cmpi sge, %add3A_144, %ge3A_158 : i32
      %le3A_160 = arith.constant 50 : i32
      %le3A_161 = arith.cmpi sle, %add3A_144, %le3A_160 : i32
      %and3A_162 = arith.andi %ge3A_159, %le3A_161 : i1
      %convert_element_type3A_163 = arith.extui %and3A_162 : i1 to i32
      %cond3A_164 = arith.constant 0 : i32
      %cond3A_165 = arith.cmpi ne, %convert_element_type3A_163, %cond3A_164 : i32
      scf.if %cond3A_165 {
        %sub3A = arith.constant 1 : i32
        %sub3A_207 = arith.subi %add3A_144, %sub3A : i32
        %dma_wait3A_208 = arith.constant 0 : i32
        %dma_wait3A_209 = tpu.memref_slice %arg7[%dma_wait3A_208] : memref<6400xi32, #tpu.memory_space<vmem>> -> memref<128xi32, #tpu.memory_space<vmem>>
        %dma_wait3A_210 = arith.constant 0 : i32
        %dma_wait3A_211 = arith.constant 0 : i32
        %dma_wait3A_212 = tpu.memref_slice %arg2[%dma_wait3A_210, %dma_wait3A_211] : memref<100000x128xf32, #tpu.memory_space<hbm>> -> memref<100000x128xf32, #tpu.memory_space<hbm>>
        tpu.wait_indirect_dma semaphore(%arg17 : memref<!tpu.dma_semaphore, #tpu.memory_space<semaphore_mem>>) src(%dma_wait3A_212 : memref<100000x128xf32, #tpu.memory_space<hbm>>) dst(%arg11 : memref<128x128xf32, #tpu.memory_space<vmem>>)
        %mul3A_213 = arith.constant 128 : i32
        %mul3A_214 = arith.muli %sub3A_207, %mul3A_213 : i32
        %dma_start3A = tpu.memref_slice %arg8[%mul3A_214] : memref<6400xi32, #tpu.memory_space<vmem>> -> memref<128xi32, #tpu.memory_space<vmem>>
        %dma_start3A_215 = arith.constant 0 : i32
        %dma_start3A_216 = arith.constant 0 : i32
        %dma_start3A_217 = tpu.memref_slice %arg14[%dma_start3A_215, %dma_start3A_216] : memref<400x128xf32, #tpu.memory_space<vmem_shared>> -> memref<400x128xf32, #tpu.memory_space<vmem_shared>>
        tpu.enqueue_indirect_dma source(%dma_start3A_217 : memref<400x128xf32, #tpu.memory_space<vmem_shared>>) target(%arg11 : memref<128x128xf32, #tpu.memory_space<vmem>>) offsets(%dma_start3A : memref<128xi32, #tpu.memory_space<vmem>>) semaphore(%arg22 : memref<!tpu.dma_semaphore, #tpu.memory_space<semaphore_mem>>) {add = true}
      } else {
      }
      %ge3A_166 = arith.constant 2 : i32
      %ge3A_167 = arith.cmpi sge, %add3A_144, %ge3A_166 : i32
      %le3A_168 = arith.constant 51 : i32
      %le3A_169 = arith.cmpi sle, %add3A_144, %le3A_168 : i32
      %and3A_170 = arith.andi %ge3A_167, %le3A_169 : i1
      %convert_element_type3A_171 = arith.extui %and3A_170 : i1 to i32
      %cond3A_172 = arith.constant 0 : i32
      %cond3A_173 = arith.cmpi ne, %convert_element_type3A_171, %cond3A_172 : i32
      scf.if %cond3A_173 {
        %sub3A = arith.constant 2 : i32
        %sub3A_207 = arith.subi %add3A_144, %sub3A : i32
        %dma_wait3A_208 = arith.constant 0 : i32
        %dma_wait3A_209 = tpu.memref_slice %arg8[%dma_wait3A_208] : memref<6400xi32, #tpu.memory_space<vmem>> -> memref<128xi32, #tpu.memory_space<vmem>>
        %dma_wait3A_210 = arith.constant 0 : i32
        %dma_wait3A_211 = arith.constant 0 : i32
        %dma_wait3A_212 = tpu.memref_slice %arg14[%dma_wait3A_210, %dma_wait3A_211] : memref<400x128xf32, #tpu.memory_space<vmem_shared>> -> memref<400x128xf32, #tpu.memory_space<vmem_shared>>
        tpu.wait_indirect_dma semaphore(%arg21 : memref<!tpu.dma_semaphore, #tpu.memory_space<semaphore_mem>>) src(%dma_wait3A_212 : memref<400x128xf32, #tpu.memory_space<vmem_shared>>) dst(%arg10 : memref<128x128xf32, #tpu.memory_space<vmem>>)
        %mul3A_213 = arith.constant 128 : i32
        %mul3A_214 = arith.muli %sub3A_207, %mul3A_213 : i32
        %add3A_215 = arith.addi %mul3A_2, %mul3A_214 : i32
        %dma_start3A = arith.constant 0 : i32
        %dma_start3A_216 = tpu.memref_slice %arg6[%add3A_215, %dma_start3A] : memref<204800x128xf32, #tpu.memory_space<hbm>> -> memref<128x128xf32, #tpu.memory_space<hbm>>
        %dma_start3A_217 = arith.constant 0 : i32
        %dma_start3A_218 = tpu.memref_slice %arg6[%add3A_215, %dma_start3A_217] : memref<204800x128xf32, #tpu.memory_space<hbm>> -> memref<128x128xf32, #tpu.memory_space<hbm>>
        tpu.enqueue_dma source(%arg10 : memref<128x128xf32, #tpu.memory_space<vmem>>) target(%dma_start3A_218 : memref<128x128xf32, #tpu.memory_space<hbm>>) target_semaphore(%arg26 : memref<!tpu.dma_semaphore, #tpu.memory_space<semaphore_mem>>)
      } else {
      }
      %mul3A_174 = arith.constant 5 : i32
      %mul3A_175 = arith.muli %scan3A_45, %mul3A_174 : i32
      %add3A_176 = arith.constant 4 : i32
      %add3A_177 = arith.addi %mul3A_175, %add3A_176 : i32
      %ge3A_178 = arith.constant 5 : i32
      %ge3A_179 = arith.cmpi sge, %add3A_177, %ge3A_178 : i32
      %lt3A_180 = arith.constant 50 : i32
      %lt3A_181 = arith.cmpi slt, %add3A_177, %lt3A_180 : i32
      %and3A_182 = arith.andi %ge3A_179, %lt3A_181 : i1
      %convert_element_type3A_183 = arith.extui %and3A_182 : i1 to i32
      %cond3A_184 = arith.constant 0 : i32
      %cond3A_185 = arith.cmpi ne, %convert_element_type3A_183, %cond3A_184 : i32
      scf.if %cond3A_185 {
        %dma_wait3A_207 = arith.constant 0 : i32
        %dma_wait3A_208 = arith.constant 0 : i32
        %dma_wait3A_209 = tpu.memref_slice %arg6[%dma_wait3A_207, %dma_wait3A_208] : memref<204800x128xf32, #tpu.memory_space<hbm>> -> memref<128x128xf32, #tpu.memory_space<hbm>>
        %dma_wait3A_210 = arith.constant 0 : i32
        %dma_wait3A_211 = arith.constant 0 : i32
        %dma_wait3A_212 = tpu.memref_slice %arg6[%dma_wait3A_210, %dma_wait3A_211] : memref<204800x128xf32, #tpu.memory_space<hbm>> -> memref<128x128xf32, #tpu.memory_space<hbm>>
        tpu.wait_dma2 semaphore(%arg29 : memref<!tpu.dma_semaphore, #tpu.memory_space<semaphore_mem>>) src(%arg13 : memref<128x128xf32, #tpu.memory_space<vmem>>) dst(%dma_wait3A_212 : memref<128x128xf32, #tpu.memory_space<hbm>>)
      } else {
      }
      %lt3A_186 = arith.constant 50 : i32
      %lt3A_187 = arith.cmpi slt, %add3A_177, %lt3A_186 : i32
      %convert_element_type3A_188 = arith.extui %lt3A_187 : i1 to i32
      %cond3A_189 = arith.constant 0 : i32
      %cond3A_190 = arith.cmpi ne, %convert_element_type3A_188, %cond3A_189 : i32
      scf.if %cond3A_190 {
        %mul3A_207 = arith.constant 128 : i32
        %mul3A_208 = arith.muli %add3A_177, %mul3A_207 : i32
        %dma_start3A = tpu.memref_slice %arg7[%mul3A_208] : memref<6400xi32, #tpu.memory_space<vmem>> -> memref<128xi32, #tpu.memory_space<vmem>>
        %dma_start3A_209 = arith.constant 0 : i32
        %dma_start3A_210 = arith.constant 0 : i32
        %dma_start3A_211 = tpu.memref_slice %arg2[%dma_start3A_209, %dma_start3A_210] : memref<100000x128xf32, #tpu.memory_space<hbm>> -> memref<100000x128xf32, #tpu.memory_space<hbm>>
        tpu.enqueue_indirect_dma source(%dma_start3A_211 : memref<100000x128xf32, #tpu.memory_space<hbm>>) target(%arg13 : memref<128x128xf32, #tpu.memory_space<vmem>>) offsets(%dma_start3A : memref<128xi32, #tpu.memory_space<vmem>>) semaphore(%arg19 : memref<!tpu.dma_semaphore, #tpu.memory_space<semaphore_mem>>)
      } else {
      }
      %ge3A_191 = arith.constant 1 : i32
      %ge3A_192 = arith.cmpi sge, %add3A_177, %ge3A_191 : i32
      %le3A_193 = arith.constant 50 : i32
      %le3A_194 = arith.cmpi sle, %add3A_177, %le3A_193 : i32
      %and3A_195 = arith.andi %ge3A_192, %le3A_194 : i1
      %convert_element_type3A_196 = arith.extui %and3A_195 : i1 to i32
      %cond3A_197 = arith.constant 0 : i32
      %cond3A_198 = arith.cmpi ne, %convert_element_type3A_196, %cond3A_197 : i32
      scf.if %cond3A_198 {
        %sub3A = arith.constant 1 : i32
        %sub3A_207 = arith.subi %add3A_177, %sub3A : i32
        %dma_wait3A_208 = arith.constant 0 : i32
        %dma_wait3A_209 = tpu.memref_slice %arg7[%dma_wait3A_208] : memref<6400xi32, #tpu.memory_space<vmem>> -> memref<128xi32, #tpu.memory_space<vmem>>
        %dma_wait3A_210 = arith.constant 0 : i32
        %dma_wait3A_211 = arith.constant 0 : i32
        %dma_wait3A_212 = tpu.memref_slice %arg2[%dma_wait3A_210, %dma_wait3A_211] : memref<100000x128xf32, #tpu.memory_space<hbm>> -> memref<100000x128xf32, #tpu.memory_space<hbm>>
        tpu.wait_indirect_dma semaphore(%arg18 : memref<!tpu.dma_semaphore, #tpu.memory_space<semaphore_mem>>) src(%dma_wait3A_212 : memref<100000x128xf32, #tpu.memory_space<hbm>>) dst(%arg12 : memref<128x128xf32, #tpu.memory_space<vmem>>)
        %mul3A_213 = arith.constant 128 : i32
        %mul3A_214 = arith.muli %sub3A_207, %mul3A_213 : i32
        %dma_start3A = tpu.memref_slice %arg8[%mul3A_214] : memref<6400xi32, #tpu.memory_space<vmem>> -> memref<128xi32, #tpu.memory_space<vmem>>
        %dma_start3A_215 = arith.constant 0 : i32
        %dma_start3A_216 = arith.constant 0 : i32
        %dma_start3A_217 = tpu.memref_slice %arg14[%dma_start3A_215, %dma_start3A_216] : memref<400x128xf32, #tpu.memory_space<vmem_shared>> -> memref<400x128xf32, #tpu.memory_space<vmem_shared>>
        tpu.enqueue_indirect_dma source(%dma_start3A_217 : memref<400x128xf32, #tpu.memory_space<vmem_shared>>) target(%arg12 : memref<128x128xf32, #tpu.memory_space<vmem>>) offsets(%dma_start3A : memref<128xi32, #tpu.memory_space<vmem>>) semaphore(%arg23 : memref<!tpu.dma_semaphore, #tpu.memory_space<semaphore_mem>>) {add = true}
      } else {
      }
      %ge3A_199 = arith.constant 2 : i32
      %ge3A_200 = arith.cmpi sge, %add3A_177, %ge3A_199 : i32
      %le3A_201 = arith.constant 51 : i32
      %le3A_202 = arith.cmpi sle, %add3A_177, %le3A_201 : i32
      %and3A_203 = arith.andi %ge3A_200, %le3A_202 : i1
      %convert_element_type3A_204 = arith.extui %and3A_203 : i1 to i32
      %cond3A_205 = arith.constant 0 : i32
      %cond3A_206 = arith.cmpi ne, %convert_element_type3A_204, %cond3A_205 : i32
      scf.if %cond3A_206 {
        %sub3A = arith.constant 2 : i32
        %sub3A_207 = arith.subi %add3A_177, %sub3A : i32
        %dma_wait3A_208 = arith.constant 0 : i32
        %dma_wait3A_209 = tpu.memref_slice %arg8[%dma_wait3A_208] : memref<6400xi32, #tpu.memory_space<vmem>> -> memref<128xi32, #tpu.memory_space<vmem>>
        %dma_wait3A_210 = arith.constant 0 : i32
        %dma_wait3A_211 = arith.constant 0 : i32
        %dma_wait3A_212 = tpu.memref_slice %arg14[%dma_wait3A_210, %dma_wait3A_211] : memref<400x128xf32, #tpu.memory_space<vmem_shared>> -> memref<400x128xf32, #tpu.memory_space<vmem_shared>>
        tpu.wait_indirect_dma semaphore(%arg22 : memref<!tpu.dma_semaphore, #tpu.memory_space<semaphore_mem>>) src(%dma_wait3A_212 : memref<400x128xf32, #tpu.memory_space<vmem_shared>>) dst(%arg11 : memref<128x128xf32, #tpu.memory_space<vmem>>)
        %mul3A_213 = arith.constant 128 : i32
        %mul3A_214 = arith.muli %sub3A_207, %mul3A_213 : i32
        %add3A_215 = arith.addi %mul3A_2, %mul3A_214 : i32
        %dma_start3A = arith.constant 0 : i32
        %dma_start3A_216 = tpu.memref_slice %arg6[%add3A_215, %dma_start3A] : memref<204800x128xf32, #tpu.memory_space<hbm>> -> memref<128x128xf32, #tpu.memory_space<hbm>>
        %dma_start3A_217 = arith.constant 0 : i32
        %dma_start3A_218 = tpu.memref_slice %arg6[%add3A_215, %dma_start3A_217] : memref<204800x128xf32, #tpu.memory_space<hbm>> -> memref<128x128xf32, #tpu.memory_space<hbm>>
        tpu.enqueue_dma source(%arg11 : memref<128x128xf32, #tpu.memory_space<vmem>>) target(%dma_start3A_218 : memref<128x128xf32, #tpu.memory_space<hbm>>) target_semaphore(%arg27 : memref<!tpu.dma_semaphore, #tpu.memory_space<semaphore_mem>>)
      } else {
      }
    }
    %scan3A_15 = arith.constant 11 : i32
    %dma_wait3A = arith.constant 0 : i32
    %dma_wait3A_16 = arith.constant 0 : i32
    %dma_wait3A_17 = tpu.memref_slice %arg6[%dma_wait3A, %dma_wait3A_16] : memref<204800x128xf32, #tpu.memory_space<hbm>> -> memref<128x128xf32, #tpu.memory_space<hbm>>
    %dma_wait3A_18 = arith.constant 0 : i32
    %dma_wait3A_19 = arith.constant 0 : i32
    %dma_wait3A_20 = tpu.memref_slice %arg6[%dma_wait3A_18, %dma_wait3A_19] : memref<204800x128xf32, #tpu.memory_space<hbm>> -> memref<128x128xf32, #tpu.memory_space<hbm>>
    tpu.wait_dma2 semaphore(%arg25 : memref<!tpu.dma_semaphore, #tpu.memory_space<semaphore_mem>>) src(%arg9 : memref<128x128xf32, #tpu.memory_space<vmem>>) dst(%dma_wait3A_20 : memref<128x128xf32, #tpu.memory_space<hbm>>)
    %dma_wait3A_21 = arith.constant 0 : i32
    %dma_wait3A_22 = arith.constant 0 : i32
    %dma_wait3A_23 = tpu.memref_slice %arg6[%dma_wait3A_21, %dma_wait3A_22] : memref<204800x128xf32, #tpu.memory_space<hbm>> -> memref<128x128xf32, #tpu.memory_space<hbm>>
    %dma_wait3A_24 = arith.constant 0 : i32
    %dma_wait3A_25 = arith.constant 0 : i32
    %dma_wait3A_26 = tpu.memref_slice %arg6[%dma_wait3A_24, %dma_wait3A_25] : memref<204800x128xf32, #tpu.memory_space<hbm>> -> memref<128x128xf32, #tpu.memory_space<hbm>>
    tpu.wait_dma2 semaphore(%arg26 : memref<!tpu.dma_semaphore, #tpu.memory_space<semaphore_mem>>) src(%arg10 : memref<128x128xf32, #tpu.memory_space<vmem>>) dst(%dma_wait3A_26 : memref<128x128xf32, #tpu.memory_space<hbm>>)
    %dma_wait3A_27 = arith.constant 0 : i32
    %dma_wait3A_28 = arith.constant 0 : i32
    %dma_wait3A_29 = tpu.memref_slice %arg6[%dma_wait3A_27, %dma_wait3A_28] : memref<204800x128xf32, #tpu.memory_space<hbm>> -> memref<128x128xf32, #tpu.memory_space<hbm>>
    %dma_wait3A_30 = arith.constant 0 : i32
    %dma_wait3A_31 = arith.constant 0 : i32
    %dma_wait3A_32 = tpu.memref_slice %arg6[%dma_wait3A_30, %dma_wait3A_31] : memref<204800x128xf32, #tpu.memory_space<hbm>> -> memref<128x128xf32, #tpu.memory_space<hbm>>
    tpu.wait_dma2 semaphore(%arg27 : memref<!tpu.dma_semaphore, #tpu.memory_space<semaphore_mem>>) src(%arg11 : memref<128x128xf32, #tpu.memory_space<vmem>>) dst(%dma_wait3A_32 : memref<128x128xf32, #tpu.memory_space<hbm>>)
    %dma_wait3A_33 = arith.constant 0 : i32
    %dma_wait3A_34 = arith.constant 0 : i32
    %dma_wait3A_35 = tpu.memref_slice %arg6[%dma_wait3A_33, %dma_wait3A_34] : memref<204800x128xf32, #tpu.memory_space<hbm>> -> memref<128x128xf32, #tpu.memory_space<hbm>>
    %dma_wait3A_36 = arith.constant 0 : i32
    %dma_wait3A_37 = arith.constant 0 : i32
    %dma_wait3A_38 = tpu.memref_slice %arg6[%dma_wait3A_36, %dma_wait3A_37] : memref<204800x128xf32, #tpu.memory_space<hbm>> -> memref<128x128xf32, #tpu.memory_space<hbm>>
    tpu.wait_dma2 semaphore(%arg28 : memref<!tpu.dma_semaphore, #tpu.memory_space<semaphore_mem>>) src(%arg12 : memref<128x128xf32, #tpu.memory_space<vmem>>) dst(%dma_wait3A_38 : memref<128x128xf32, #tpu.memory_space<hbm>>)
    %dma_wait3A_39 = arith.constant 0 : i32
    %dma_wait3A_40 = arith.constant 0 : i32
    %dma_wait3A_41 = tpu.memref_slice %arg6[%dma_wait3A_39, %dma_wait3A_40] : memref<204800x128xf32, #tpu.memory_space<hbm>> -> memref<128x128xf32, #tpu.memory_space<hbm>>
    %dma_wait3A_42 = arith.constant 0 : i32
    %dma_wait3A_43 = arith.constant 0 : i32
    %dma_wait3A_44 = tpu.memref_slice %arg6[%dma_wait3A_42, %dma_wait3A_43] : memref<204800x128xf32, #tpu.memory_space<hbm>> -> memref<128x128xf32, #tpu.memory_space<hbm>>
    tpu.wait_dma2 semaphore(%arg29 : memref<!tpu.dma_semaphore, #tpu.memory_space<semaphore_mem>>) src(%arg13 : memref<128x128xf32, #tpu.memory_space<vmem>>) dst(%dma_wait3A_44 : memref<128x128xf32, #tpu.memory_space<hbm>>)
    return
  }
}

module attributes {stable_mosaic.version = 14 : i64} {
  func.func @_addtab_body(%arg0: memref<2x128xf32, #tpu.memory_space<vmem>>, %arg1: memref<200x128xf32, #tpu.memory_space<vmem>>, %arg2: memref<400x128xf32, #tpu.memory_space<vmem>>) attributes {dimension_semantics = [], scalar_prefetch = 0 : i64, scratch_operands = 0 : i64, tpu.core_type = #tpu.core_type<tc>} {
    %get3A = arith.constant 0 : index
    %get3A_0 = arith.constant 0 : index
    %get3A_1 = vector.load %arg1[%get3A, %get3A_0] : memref<200x128xf32, #tpu.memory_space<vmem>>, vector<200x128xf32>
    %get3A_2 = arith.constant 0 : index
    %get3A_3 = arith.constant 0 : index
    %get3A_4 = vector.load %arg0[%get3A_2, %get3A_3] : memref<2x128xf32, #tpu.memory_space<vmem>>, vector<1x128xf32>
    %add3A = vector.broadcast %get3A_4 : vector<1x128xf32> to vector<200x128xf32>
    %add3A_5 = arith.addf %get3A_1, %add3A : vector<200x128xf32>
    %swap3A = arith.constant 0 : index
    %swap3A_6 = arith.constant 0 : index
    %swap3A_7 = vector.load %arg2[%swap3A, %swap3A_6] : memref<400x128xf32, #tpu.memory_space<vmem>>, vector<200x128xf32>
    tpu.vector_store %arg2[%swap3A, %swap3A_6], %add3A_5 {strides = array<i32>} : memref<400x128xf32, #tpu.memory_space<vmem>>, vector<200x128xf32>,
    %get3A_8 = arith.constant 0 : index
    %get3A_9 = arith.constant 0 : index
    %get3A_10 = vector.load %arg1[%get3A_8, %get3A_9] : memref<200x128xf32, #tpu.memory_space<vmem>>, vector<200x128xf32>
    %get3A_11 = arith.constant 1 : index
    %get3A_12 = arith.constant 0 : index
    %get3A_13 = vector.load %arg0[%get3A_11, %get3A_12] : memref<2x128xf32, #tpu.memory_space<vmem>>, vector<1x128xf32>
    %add3A_14 = vector.broadcast %get3A_13 : vector<1x128xf32> to vector<200x128xf32>
    %add3A_15 = arith.addf %get3A_10, %add3A_14 : vector<200x128xf32>
    %swap3A_16 = arith.constant 200 : index
    %swap3A_17 = arith.constant 0 : index
    %swap3A_18 = vector.load %arg2[%swap3A_16, %swap3A_17] : memref<400x128xf32, #tpu.memory_space<vmem>>, vector<200x128xf32>
    tpu.vector_store %arg2[%swap3A_16, %swap3A_17], %add3A_15 {strides = array<i32>} : memref<400x128xf32, #tpu.memory_space<vmem>>, vector<200x128xf32>,
    return
  }
}

</mosaic_0001>

<sc_bundles>
// kernel: kernel.4.cloned.1.call-start
scs
__scs_entry_jumppad:
0x0: {  	(pc) =	sbr.rel $0x88, $3  }
0x1: {  	(tag) =	ssettag $0x0;
	lr =	simm.s32 $0x1  }
0x2: {  	[smem:$0x3F9C] =	sst lr;
	_ =	strace $0xD0000000  }
0x3: {  	_ = 	snop  }
0x4: {  	_ = 	snop  }
0x5: {  	_ = 	snop  }
0x6: {  	_ = 	snop  }
0x7: {  	_ = 	snop  }
__scs_overlays_trampoline_lowered:
0x8: {  	[smem:$0x3FAB] =	sst s0  }
0x9: {  	[smem:$0x3FAC] =	sst s1  }
0xa: {  	[smem:$0x3FAD] =	sst s2  }
0xb: {  	[smem:$0x3FAE] =	sst s3  }
0xc: {  	[smem:$0x3FAF] =	sst s4  }
0xd: {  	[smem:$0x3FB0] =	sst s5  }
0xe: {  	[smem:$0x3FB1] =	sst s6  }
0xf: {  	[smem:$0x3FB2] =	sst s7  }
0x10: {  	[smem:$0x3FB3] =	sst s8  }
0x11: {  	[smem:$0x3FB4] =	sst s9;
	s0 =	simm.s32 @!p0 $0x0  }
0x12: {  	s1 =	sld [smem:$0x3F9A];
	s0 =	simm.s32 @p0 $0x1  }
0x13: {  	[smem:$0x3FB5] =	sst s0;
	s0 =	simm.s32 @!p1 $0x0  }
0x14: {  	s2 =	sld [smem:$0x3F99];
	s0 =	simm.s32 @p1 $0x1  }
0x15: {  	[smem:$0x3FB6] =	sst s0;
	s0 =	simm.s32 @!p2 $0x0  }
0x16: {  	s3 =	sld [smem:$0x3FDB];
	s0 =	simm.s32 @p2 $0x1  }
0x17: {  	s4 =	simm.s32 $0x1BF5;
	[smem:$0x3FB8] =	sst s0  }
0x18: {  	s0 =	sld [smem:$0x3F9B];
	_ =	swait.ge [sflag:s4], $0x0  }
0x19: {  	s7 =	sld [smem:$0x3F9C]  }
0x1a: {  	s8 =	sadd.s32 $0xFFFFE003, lr  }
0x1b: {  	s9 =	sadd.s32 $0xFFFFFEF7, lr;
	s5 =	simm.s32 $0xFFFFFFFF;
	p2 =	slt.u32 s8, $0xFFFFF086  }
0x1c: {  	p1 =	slt.u32 s9, $0xF7A;
	s5 =	simm.s32 @!p2 $0x0  }
0x1d: {  	s5 =	simm.s32 @p1 $0x1;
	p0 =	seq.s32 s7, s2  }
0x1e: {  	s7 =	smul.u32 @!p0 $0xF7A, s2;
	p2 =	seq.s32 @!p0 s5, $0x0  }
0x1f: {  	s9 =	smul.u32 $0xF7A, s1;
	s8 =	simm.s32 @!p0 $0x1BF5;
	p2 =	por !p2, p0  }
0x20: {  	[sflag:s8] =	ssyncset.s32 @!p0 $0xFFFFF086;
	s6 =	sadd.s32 @!p0 s3, s7;
	s7 =	simm.s32 @!p0 $0x108  }
0x21: {  	s3 =	sadd.s32 s3, s9;
	s6 =	sadd.s32 @!p0 $0x88, s6;
	s7 =	simm.s32 @p2 $0x1082  }
0x22: {  	[simem:s7], [sflag:s8] =	dma.local @!p0 [hbm:s6], $0xF7A  }
0x23: {  	s9 =	sor.u32 $0xD0000000, s2;
	s6 =	simm.s32 $0x108;
	_ =	swait.ge @!p0 [sflag:s8], $0x0  }
0x24: {  	s3 =	sadd.s32 $0x88, s3;
	s6 =	simm.s32 @!p1 $0x1082;
	[sflag:s4] =	ssyncset.s32 $0xFFFFF086  }
0x25: {  	[simem:s6], [sflag:s4] =	dma.local [hbm:s3], $0xF7A  }
0x26: {  	[smem:$0x3F9C] =	sst s1;
	(tag) =	ssettag s2;
	_ =	strace s9  }
0x27: {  	s1 =	sld [smem:$0x3FAC]  }
0x28: {  	s2 =	sld [smem:$0x3FAD]  }
0x29: {  	s4 =	sld [smem:$0x3FAF]  }
0x2a: {  	p0 =	seq.s32 s5, $0x0;
	s5 =	sld [smem:$0x3FB0]  }
0x2b: {  	s6 =	sld [smem:$0x3FB1]  }
0x2c: {  	s7 =	sld [smem:$0x3FB2]  }
0x2d: {  	s3 =	simm.s32 $0x108;
	s8 =	sld [smem:$0x3FB3]  }
0x2e: {  	s3 =	simm.s32 @!p0 $0x1082;
	s9 =	sld [smem:$0x3FB4]  }
0x2f: {  	lr =	sadd.s32 s0, s3;
	s0 =	sld [smem:$0x3FAB]  }
0x30: {  	s3 =	sld [smem:$0x3FAE]  }
0x31: {  	[smem:$0x3FB7] =	sst s10  }
0x32: {  	s10 =	sld [smem:$0x3FB5];
	_ =	sdelay $0x3  }
0x33: {  	p0 =	seq.s32 s10, $0x1;
	s10 =	sld [smem:$0x3FB7];
	_ =	sdelay $0x3  }
0x34: {  	[smem:$0x3FB7] =	sst s10  }
0x35: {  	s10 =	sld [smem:$0x3FB6];
	_ =	sdelay $0x3  }
0x36: {  	p1 =	seq.s32 s10, $0x1;
	s10 =	sld [smem:$0x3FB7];
	_ =	sdelay $0x3  }
0x37: {  	[smem:$0x3FB7] =	sst s10  }
0x38: {  	s10 =	sld [smem:$0x3FB8]  }
0x39: {  	_ = 	snop;
	(pc) =	sbr.ind lr, $3  }
0x3a: {  	_ = 	snop  }
0x3b: {  	_ = 	snop  }
0x3c: {  	p2 =	seq.s32 s10, $0x1;
	s10 =	sld [smem:$0x3FB7]  }
0x3d: {  	_ =	shalt  }
0x3e: {  	_ =	shalt  }
0x3f: {  	_ =	shalt  }
0x40: {  	_ =	shalt  }
0x41: {  	_ =	shalt  }
0x42: {  	_ =	shalt  }
0x43: {  	_ =	shalt  }
0x44: {  	_ =	shalt  }
0x45: {  	_ =	shalt  }
0x46: {  	_ =	shalt  }
0x47: {  	_ =	shalt  }
0x48: {  	_ =	shalt  }
0x49: {  	_ =	shalt  }
0x4a: {  	_ =	shalt  }
0x4b: {  	_ =	shalt  }
0x4c: {  	_ =	shalt  }
0x4d: {  	_ =	shalt  }
0x4e: {  	_ =	shalt  }
0x4f: {  	_ =	shalt  }
0x50: {  	_ =	shalt  }
0x51: {  	_ =	shalt  }
0x52: {  	_ =	shalt  }
0x53: {  	_ =	shalt  }
0x54: {  	_ =	shalt  }
0x55: {  	_ =	shalt  }
0x56: {  	_ =	shalt  }
0x57: {  	_ =	shalt  }
0x58: {  	_ =	shalt  }
0x59: {  	_ =	shalt  }
0x5a: {  	_ =	shalt  }
0x5b: {  	_ =	shalt  }
0x5c: {  	_ =	shalt  }
0x5d: {  	_ =	shalt  }
0x5e: {  	_ =	shalt  }
0x5f: {  	_ =	shalt  }
0x60: {  	_ =	shalt  }
0x61: {  	_ =	shalt  }
0x62: {  	_ =	shalt  }
0x63: {  	_ =	shalt  }
0x64: {  	_ =	shalt  }
0x65: {  	_ =	shalt  }
0x66: {  	_ =	shalt  }
0x67: {  	_ =	shalt  }
0x68: {  	_ =	shalt  }
0x69: {  	_ =	shalt  }
0x6a: {  	_ =	shalt  }
0x6b: {  	_ =	shalt  }
0x6c: {  	_ =	shalt  }
0x6d: {  	_ =	shalt  }
0x6e: {  	_ =	shalt  }
0x6f: {  	_ =	shalt  }
0x70: {  	_ =	shalt  }
0x71: {  	_ =	shalt  }
0x72: {  	_ =	shalt  }
0x73: {  	_ =	shalt  }
0x74: {  	_ =	shalt  }
0x75: {  	_ =	shalt  }
0x76: {  	_ =	shalt  }
0x77: {  	_ =	shalt  }
0x78: {  	_ =	shalt  }
0x79: {  	_ =	shalt  }
0x7a: {  	_ =	shalt  }
0x7b: {  	_ =	shalt  }
0x7c: {  	_ =	shalt  }
0x7d: {  	_ =	shalt  }
0x7e: {  	_ =	shalt  }
0x7f: {  	_ =	shalt  }
0x80: {  	_ =	shalt  }
0x81: {  	_ =	shalt  }
0x82: {  	_ =	shalt  }
0x83: {  	_ =	shalt  }
0x84: {  	_ =	shalt  }
0x85: {  	_ =	shalt  }
0x86: {  	_ =	shalt  }
0x87: {  	_ =	shalt  }
.Lfunc_end0:
.L_simem_size_0:
called_computation_lowered:
.L_overlay_start_0:
0x88: {  	s2 =	sld [smem:$0x3FD9]  }
0x89: {  	s3 =	sld [smem:$0x3FFE];
	_ =	sdelay $0x1  }
0x8a: {  	s1 =	srdreg.scid  }
0x8b: {  	s0 =	sand.u32 $0x1, s1  }
0x8c: {  	s17 =	sshll.u32 s0, $0xA;
	s2 =	sadd.s32 s3, s2  }
0x8d: {  	s2 =	sadd.s32 s2, s17  }
0x8e: {  	[smem:$0x3FC3] =	sst s2  }
0x8f: {  	_ = 	snop  }
0x90: {  	s2 =	sld [smem:$0x3FC7]  }
0x91: {  	s18 =	sld [smem:$0x3FD0];
	(tm) =	ssettm $0x1  }
0x92: {  	s4 =	sld [smem:$0x3FFB];
	_ =	sdelay $0x3  }
0x93: {  	_ =	strace s4  }
0x94: {  	s4 =	sld [smem:$0x3FFC];
	_ =	sdelay $0x3  }
0x95: {  	_ =	strace s4  }
0x96: {  	s4 =	sld [smem:$0x3FFD];
	_ =	sdelay $0x3  }
0x97: {  	_ =	strace s4  }
0x98: {  	_ =	strace $0x8FFFFFFF  }
0x99: {  	s19 =	sld [smem:$0x3FDB];
	_ =	sdelay $0x1  }
0x9a: {  	s5 =	simm.s32 $_scs_section_size  }
0x9b: {  	s6 =	simm.s32 $_size__tile_overlayer_lowered;
	s7 =	simm.s32 $_tile_overlayer_lowered  }
0x9c: {  	s22 =	simm.s32 $0x1BFF;
	s21 =	sshll.u32 s7, $0x1;
	s4 =	sadd.s32 s5, s19  }
0x9d: {  	s8 =	simm.s32 $0x0;
	s20 =	sshll.u32 s6, $0x1;
	s6 =	sadd.s32 s21, s4  }
0x9e: {  	[timem:s8], [sflag:s22] =	dma.local [hbm:s6], s20  }
0x9f: {  	_ =	swait.ge [sflag:s22], s20  }
0xa0: {  	s5 =	ssub.s32 $0x0, s20;
	[sflag:s22] =	ssyncset.done $0x0  }
0xa1: {  	[sflag:s22] =	ssyncadd.s32 s5;
	_ =	sdelay $0x1  }
0xa2: {  	s23 =	simm.s32 $0x1B8B  }
0xa3: {  	_ =	swait.ge [sflag:s23], $0x1  }
0xa4: {  	[sflag:s23] =	ssyncset.done $0x0  }
0xa5: {  	s25 =	simm.s32 $0x1B8E;
	s24 =	sld [smem:$0x3FFE];
	[sflag:s23] =	ssyncadd.s32 $0xFFFFFFFF  }
0xa6: {  	s26 =	simm.s32 $execute0_lowered;
	[smem:$0x3FD2] =	sst s25  }
0xa7: {  	s6 =	sshll.u32 s26, $0x1;
	_ =	strace $0x80000046;
	[dreg:$0x1] =	wrdreg $0xFFFFFFFF  }
0xa8: {  	s28 =	simm.s32 $_size_execute0_lowered;
	s4 =	sadd.s32 s4, s6;
	[dreg:$0x0] =	wrdreg $0x0  }
0xa9: {  	s6 =	sshll.u32 s28, $0x1;
	[dreg:$0x2] =	wrdreg s4  }
0xaa: {  	[dreg:$0x3] =	wrdreg s6  }
0xab: {  	[dreg:$0x4] =	wrdreg $0xC0  }
0xac: {  	_ =	task [dreg:s8], $0x5FFFF  }
0xad: {  	[dreg:$0x1] =	wrdreg $0xFFFFFFFF  }
0xae: {  	[dreg:$0x0] =	wrdreg $0x60  }
0xaf: {  	[dreg:$0x2] =	wrdreg s2  }
0xb0: {  	[dreg:$0x3] =	wrdreg s24  }
0xb1: {  	[dreg:$0x4] =	wrdreg s18  }
0xb2: {  	[dreg:$0x5] =	wrdreg $0x172000  }
0xb3: {  	[dreg:$0x6] =	wrdreg $0x9  }
0xb4: {  	_ =	task.clear_ibuf [dreg:s8], $0x7FFFF;
	_ =	strace $0x90000046  }
0xb5: {  	s29 =	simm.s32 $0x9;
	_ =	strace $0x80000048  }
0xb6: {  	_ =	swait.ge [sflag:s29], $0x1  }
0xb7: {  	[sflag:s29] =	ssyncadd.s32 $0xFFFFFFFF  }
0xb8: {  	_ =	strace $0x90000048  }
0xb9: {  	_ =	sfence  }
0xba: {  	s30 =	sld [smem:$0x0];
	_ =	sdelay $0x2  }
0xbb: {  	s31 =	sshll.u32 s1, $0xD;
	s1 =	sshrl.u32 s1, $0x2  }
0xbc: {  	s3 =	sand.u32 $0x4000, s31;
	s1 =	sadd.s32 s1, s30  }
0xbd: {  	s0 =	sor.u32 s3, s0;
	s1 =	sshll.u32 s1, $0x11  }
0xbe: {  	s0 =	sor.u32 s1, s0  }
0xbf: {  	s0 =	sadd.s32 $0x8F2B, s0  }
0xc0: {  	[sflag:s0] =	ssyncadd.remote.s32 $0x1  }
0xc1: {  	_ =	sfence.sel $0xFFFF  }
0xc2: {  	[dreg:$0x0] =	wrdreg $0xFFFFFFFF;
	(pc) =	sbr.abs _section_cstart, $3  }
0xc3: {  	[dreg:$0x1] =	wrdreg $0xFFFFFFFF  }
0xc4: {  	_ =	task.clear_ibuf [dreg:s8], $0x2FFFF;
	_ =	strace $0x9FFFFFFF  }
0xc5: {  	(tm) =	ssettm $0x7FFFFFFF  }
tec
execute0_lowered:
.L_overlay_start_1:
0x0: {  	(tag) =	ssettag $0x1  }
0x1: {  	s0 =	rddreg [dreg:$0x0]  }
0x2: {  	s2 =	rddreg [dreg:$0x1]  }
0x3: {  	s1 =	rddreg [dreg:$0x2];
	s4 =	srdreg.scid  }
0x4: {  	s5 =	stileid.u32;
	s3 =	rddreg [dreg:$0x3];
	s14 =	simm.s32 $0x5  }
0x5: {  	s15 =	simm.s32 $0x80;
	s16 =	simm.s32 $0x13200;
	s17 =	simm.s32 $0xA  }
0x6: {  	s28 =	simm.s32 $0x7200;
	s29 =	simm.s32 $0x1;
	s30 =	simm.s32 $0x3200  }
0x7: {  	s31 =	simm.s32 $0x0;
	s6 =	sand.u32 $0x1, s4;
	s10 =	smul.u32 $0x190000, s5  }
0x8: {  	s7 =	sshll.u32 s5, $0x1;
	s4 =	simm.s32 $0x0;
	s12 =	smul.u32 $0x32000, s5  }
0x9: {  	s9 =	sadd.s32 $0xD200, s2;
	p0 =	sne.s32 s5, $0x0;
	s11 =	smul.u32 $0xC8000, s6  }
0xa: {  	s7 =	sor.u32 s6, s7;
	[smem:$0x7FF] =	sst s4;
	s23 =	smul.u32 $0x19000, s6  }
0xb: {  	s20 =	ssub.s32 $0x2, s6;
	s8 =	smul.u32 $0x1900, s7;
	_ =	strace $0x80000047  }
0xc: {  	[dreg:$0x5] =	wrdreg s9;
	s21 =	sshrl.u32 s20, $0x1;
	s25 =	sadd.s32 s12, s1  }
0xd: {  	s9 =	ssub.s32 s20, s21;
	s24 =	sadd.s32 s11, s10;
	s8 =	sshrl.u32 s8, $0x3  }
0xe: {  	s6 =	sadd.s32 $0x8000, s24;
	s9 =	smax.u32 s9, $0x1;
	s2 =	sadd.s32 s8, s2  }
0xf: {  	s24 =	simm.s32 $0xF200;
	[dreg:$0x8] =	wrdreg s9;
	s22 =	sadd.s32 $0xA00, s2  }
.Ltmp0:
0x10: {  	s2 =	sadd.s32 $0x6E00, s2;
	[dreg:$0x6] =	wrdreg s22;
	(pc) =	sbr.rel .LBB2_1-.Ltmp0, $4  }
0x11: {  	s26 =	sshrl.u32 s6, $0x3;
	[dreg:$0x7] =	wrdreg s2;
	s2 =	sadd.s32 s23, s25  }
0x12: {  	s8 =	smul.u32 $0xC8000, s7;
	[dreg:$0x9] =	wrdreg s2;
	s2 =	sadd.s32 s26, s1  }
0x13: {  	s23 =	simm.s32 $0x4;
	[dreg:$0xa] =	wrdreg s2;
	s2 =	sshrl.u32 @!p0 s3, $0x3  }
0x14: {  	v0 =	vlaneseq.u32;
	s25 =	simm.s32 $0x8;
	s26 =	simm.s32 $0xB200;
	[dreg:$0xb] =	wrdreg s2  }
.LBB2_12:
0x15: {  	s2 =	simm.s32 $0xB  }
0x16: {  	_ =	swait.ge [sflag:s2], $0x4000  }
0x17: {  	[sflag:s2] =	ssyncset.done $0x0  }
0x18: {  	s19 =	simm.s32 $0xC;
	[sflag:s2] =	ssyncadd.s32 $0xFFFFC000  }
0x19: {  	_ =	swait.ge [sflag:s19], $0x4000  }
0x1a: {  	[sflag:s19] =	ssyncset.done $0x0  }
0x1b: {  	s20 =	simm.s32 $0xD;
	[sflag:s19] =	ssyncadd.s32 $0xFFFFC000  }
0x1c: {  	_ =	swait.ge [sflag:s20], $0x4000  }
0x1d: {  	[sflag:s20] =	ssyncset.done $0x0  }
0x1e: {  	s21 =	simm.s32 $0xE;
	[sflag:s20] =	ssyncadd.s32 $0xFFFFC000  }
0x1f: {  	_ =	swait.ge [sflag:s21], $0x4000  }
0x20: {  	[sflag:s21] =	ssyncset.done $0x0  }
0x21: {  	s5 =	simm.s32 $0xF;
	[sflag:s21] =	ssyncadd.s32 $0xFFFFC000  }
0x22: {  	_ =	swait.ge [sflag:s5], $0x4000  }
0x23: {  	s31 =	sadd.s32 $0x1, s31;
	s22 =	rddreg [dreg:$0x8]  }
0x24: {  	p1 =	sne.s32 s31, s22  }
.Ltmp1:
0x25: {  	_ = 	snop;
	(pc) =	sbr.rel @!p1 .LBB2_13-.Ltmp1, $3  }
0x26: {  	_ =	sdelay $0x1  }
0x27: {  	[sflag:s5] =	ssyncset.done $0x0  }
0x28: {  	[sflag:s5] =	ssyncadd.s32 $0xFFFFC000  }
.LBB2_1:
0x29: {  	s2 =	rddreg [dreg:$0x6];
	s6 =	simm.s32 $0x10  }
0x2a: {  	[tilespmem:s4], [sflag:$0x10] =	stream.linear.gather [hbm4b:s2+s4], $0x1900, $0x38;
	[tilespmem:$0x17E80] =	vst v63  }
0x2b: {  	_ =	swait.ge [sflag:s6], $0x1900  }
0x2c: {  	[sflag:s6] =	ssyncset.done $0x0  }
0x2d: {  	s2 =	simm.s32 $0x1900;
	s5 =	rddreg [dreg:$0x7];
	[sflag:s6] =	ssyncadd.s32 $0xFFFFE700  }
0x2e: {  	[tilespmem:s2], [sflag:$0x10] =	stream.linear.gather [hbm4b:s5+s4], $0x1900, $0x38;
	[tilespmem:$0x17E80] =	vst v63  }
0x2f: {  	_ =	swait.ge [sflag:s6], $0x1900  }
0x30: {  	[sflag:s6] =	ssyncset.done $0x0  }
0x31: {  	[sflag:s6] =	ssyncadd.s32 $0xFFFFE700  }
0x32: {  	v1 =	vor.u32 s4, v0;
	s5 =	simm.s32 $0x10;
	v2 =	vld [tilespmem:s2+$0x0]  }
.LBB2_2:
0x33: {  	p1 =	sne.s32 s5, $0x18F0;
	v3 =	vmulhi.u32 $0x51EB851F, v1;
	_ =	sdelay $0x1  }
0x34: {  	v3 =	vshrl.u32 v3, $0x6  }
0x35: {  	v3 =	vmul.u32 $0xC8, v3  }
.Ltmp2:
0x36: {  	v2 =	vmul.u32 $0xC8, v2;
	(pc) =	sbr.rel @p1 .LBB2_2-.Ltmp2, $4  }
0x37: {  	v1 =	vsub.s32 v1, v3  }
0x38: {  	v1 =	vadd.s32 v1, v2  }
0x39: {  	[tilespmem:s2+$0x0] =	vst v1;
	s2 =	sadd.s32 $0x10, s2  }
0x3a: {  	v1 =	vor.u32 s5, v0;
	s5 =	sadd.s32 $0x10, s5;
	v2 =	vld [tilespmem:s2+$0x0]  }
0x3b: {  	v3 =	vmulhi.u32 $0x51EB851F, v1;
	_ =	sdelay $0x1  }
0x3c: {  	v3 =	vshrl.u32 v3, $0x6  }
0x3d: {  	v3 =	vmul.u32 $0xC8, v3  }
0x3e: {  	v2 =	vmul.u32 $0xC8, v2  }
0x3f: {  	v1 =	vsub.s32 v1, v3  }
0x40: {  	s5 =	rddreg [dreg:$0x5];
	v1 =	vadd.s32 v1, v2  }
0x41: {  	s6 =	rddreg [dreg:$0xb];
	[tilespmem:s2+$0x0] =	vst v1;
	s2 =	simm.s32 @!p0 $0x1C10  }
0x42: {  	[spmem:s6], [sflag:s2] =	dma.local @!p0 [hbm:s5], $0x1900  }
0x43: {  	s2 =	simm.s32 @!p0 $0x10  }
0x44: {  	_ =	swait.ge @!p0 [sflag:s2], $0x1900  }
0x45: {  	[sflag:s2] =	ssyncset.done @!p0 $0x0  }
0x46: {  	[sflag:s2] =	ssyncadd.s32 @!p0 $0xFFFFE700  }
0x47: {  	[bflag:$0x0] =	sbarrier.arrive $0xFFFF  }
0x48: {  	s18 =	simm.s32 $0x1;
	s11 =	rddreg [dreg:$0xa]  }
0x49: {  	s9 =	simm.s32 $0x0;
	s2 =	simm.s32 $0x0;
	s10 =	rddreg [dreg:$0x9]  }
.LBB2_4:
0x4a: {  	s5 =	sadd.s32 $0xFFFFFFFA, s18  }
0x4b: {  	p1 =	sgt.u32 s5, $0x2C  }
0x4c: {  	s5 =	simm.s32 @!p1 $0xB  }
0x4d: {  	_ =	swait.ge @!p1 [sflag:s5], $0x4000  }
0x4e: {  	[sflag:s5] =	ssyncset.done @!p1 $0x0  }
0x4f: {  	[sflag:s5] =	ssyncadd.s32 @!p1 $0xFFFFC000;
	p1 =	seq.s32 s2, $0x6400  }
0x50: {  	s6 =	sshra.s32 @!p1 s2, $0x2;
	s5 =	simm.s32 @!p1 $0x80;
	s7 =	simm.s32 @!p1 $0x3200  }
0x51: {  	[tilespmem:s7], [sflag:$0x1] =	stream.indirect.gather @!p1 [hbm4b:s0+s5], $0x80, s6, s5, $0xb8;
	[tilespmem:$0x17E80] =	vst v63  }
0x52: {  	s7 =	sadd.s32 @!p1 $0xFFFFFFFE, s18  }
0x53: {  	p2 =	sgt.u32 @!p1 s7, $0x31  }
0x54: {  	p2 =	por p1, !p2  }
.Ltmp3:
0x55: {  	_ = 	snop;
	(pc) =	sbr.rel @!p2 .LBB2_5-.Ltmp3, $1  }
0x56: {  	_ =	sdelay $0x3  }
0x57: {  	s5 =	smov.u32 s2  }
0x58: {  	_ =	swait.ge [sflag:s14], $0x4000;
	s5 =	simm.s32 @p1 $0x6400  }
0x59: {  	s13 =	sadd.s32 $0xFFFFFFFD, s18;
	[sflag:s14] =	ssyncset.done $0x0;
	s5 =	sshra.s32 s5, $0x2  }
0x5a: {  	p2 =	sgt.u32 s13, $0x31;
	[sflag:s14] =	ssyncadd.s32 $0xFFFFC000;
	s5 =	sadd.s32 $0x1880, s5  }
0x5b: {  	[tilespmem:s16], [sflag:$0xA] =	stream.indirect.gather.add.f32 [spmem:s3], $0x80, s5, s15, $0xb8;
	[tilespmem:$0x17E80] =	vst v63  }
0x5c: {  	s5 =	simm.s32 @!p2 $0x9  }
0x5d: {  	_ =	swait.ge @!p2 [sflag:s5], $0x4000  }
0x5e: {  	s19 =	simm.s32 @!p2 $0x0;
	[sflag:s5] =	ssyncset.done @!p2 $0x0  }
0x5f: {  	s20 =	simm.s32 @!p2 $0xF200;
	[sflag:s5] =	ssyncadd.s32 @!p2 $0xFFFFC000;
	s5 =	sadd.s32 @!p2 $0xFFFFF000, s10  }
0x60: {  	[hbm4b:s5+s19] =	stream.linear.scatter @!p2 [tilespmem:s20], [sflag:$0xE], $0x4000, $0x38;
	[tilespmem:$0x17E80] =	vst v63  }
0x61: {  	s5 =	sadd.s32 @!p2 $0xFFFFFFFB, s18  }
0x62: {  	p3 =	sgt.u32 @!p2 s5, $0x2C  }
.Ltmp4:
0x63: {  	p2 =	por p3, p2;
	(pc) =	sbr.rel @!p1 .LBB2_6-.Ltmp4, $4  }
0x64: {  	s5 =	simm.s32 @!p2 $0xC  }
0x65: {  	_ =	swait.ge @!p2 [sflag:s5], $0x4000  }
0x66: {  	[sflag:s5] =	ssyncset.done @!p2 $0x0  }
0x67: {  	s7 =	simm.s32 @p1 $0x31;
	[sflag:s5] =	ssyncadd.s32 @!p2 $0xFFFFC000;
	p2 =	por $0x1, $0x1  }
.Ltmp5:
0x68: {  	(pc) =	sbr.rel .LBB2_9-.Ltmp5, $3  }
0x69: {  	_ = 	snop  }
0x6a: {  	s5 =	smul.u32 $0x5, s9;
	_ =	sdelay $0x1  }
0x6b: {  	s5 =	sadd.s32 $0x1, s5  }
.LBB2_5:
0x6c: {  	p2 =	por @!p1 $0x0, $0x0;
	s7 =	simm.s32 @!p1 $0xFFFFFFFF;
	s13 =	simm.s32 @!p1 $0xFFFFFFFE  }
.LBB2_6:
0x6d: {  	s5 =	sshra.s32 s2, $0x2  }
0x6e: {  	s19 =	sadd.s32 $0x80, s5  }
0x6f: {  	[tilespmem:s28], [sflag:$0x2] =	stream.indirect.gather [hbm4b:s0+s15], $0x80, s19, s15, $0xb8;
	[tilespmem:$0x17E80] =	vst v63  }
.Ltmp6:
0x70: {  	_ =	swait.ge [sflag:s29], $0x4000;
	(pc) =	sbr.rel @!p2 .LBB2_10-.Ltmp6, $4  }
0x71: {  	[sflag:s29] =	ssyncset.done $0x0  }
0x72: {  	s5 =	sadd.s32 $0x1900, s5;
	[sflag:s29] =	ssyncadd.s32 $0xFFFFC000  }
0x73: {  	[tilespmem:s30], [sflag:$0x6] =	stream.indirect.gather.add.f32 [spmem:s3], $0x80, s5, s15, $0xb8;
	[tilespmem:$0x17E80] =	vst v63  }
0x74: {  	s5 =	smov.u32 s18  }
.LBB2_9:
0x75: {  	_ =	swait.ge [sflag:s17], $0x4000  }
0x76: {  	[sflag:s17] =	ssyncset.done $0x0  }
0x77: {  	s19 =	sadd.s32 $0xFFFFF800, s10;
	[sflag:s17] =	ssyncadd.s32 $0xFFFFC000  }
0x78: {  	[hbm4b:s19+s4] =	stream.linear.scatter [tilespmem:s16], [sflag:$0xF], $0x4000, $0x38;
	[tilespmem:$0x17E80] =	vst v63  }
.LBB2_10:
0x79: {  	s19 =	sadd.s32 $0xFFFFFFFC, s18  }
0x7a: {  	p2 =	sgt.u32 s19, $0x2C  }
0x7b: {  	s19 =	simm.s32 @!p2 $0xD  }
0x7c: {  	_ =	swait.ge @!p2 [sflag:s19], $0x4000  }
0x7d: {  	s20 =	simm.s32 @!p1 $0x80;
	[sflag:s19] =	ssyncset.done @!p2 $0x0  }
0x7e: {  	s21 =	simm.s32 @!p1 $0xB200;
	[sflag:s19] =	ssyncadd.s32 @!p2 $0xFFFFC000;
	s19 =	sadd.s32 @!p1 $0x100, s6  }
0x7f: {  	[tilespmem:s21], [sflag:$0x3] =	stream.indirect.gather @!p1 [hbm4b:s0+s20], $0x80, s19, s20, $0xb8;
	[tilespmem:$0x17E80] =	vst v63  }
0x80: {  	s19 =	simm.s32 @!p1 $0x2  }
0x81: {  	s22 =	sshll.u32 @!p1 s5, $0x7;
	_ =	swait.ge @!p1 [sflag:s19], $0x4000  }
0x82: {  	s22 =	sand.u32 @!p1 $0x3FFFFF80, s22;
	[sflag:s19] =	ssyncset.done @!p1 $0x0  }
0x83: {  	[sflag:s19] =	ssyncadd.s32 @!p1 $0xFFFFC000;
	s19 =	sadd.s32 @!p1 $0x1900, s22;
	s22 =	simm.s32 @!p1 $0x7200  }
0x84: {  	[tilespmem:s22], [sflag:$0x7] =	stream.indirect.gather.add.f32 @!p1 [spmem:s3], $0x80, s19, s20, $0xb8;
	[tilespmem:$0x17E80] =	vst v63  }
0x85: {  	s19 =	simm.s32 @!p1 $0x6  }
0x86: {  	_ =	swait.ge @!p1 [sflag:s19], $0x4000  }
0x87: {  	s12 =	simm.s32 @!p1 $0x3200;
	[sflag:s19] =	ssyncset.done @!p1 $0x0  }
0x88: {  	p2 =	sgt.u32 s13, $0x2C;
	[sflag:s19] =	ssyncadd.s32 @!p1 $0xFFFFC000;
	s19 =	simm.s32 @!p1 $0x0  }
0x89: {  	[hbm4b:s10+s19] =	stream.linear.scatter @!p1 [tilespmem:s12], [sflag:$0xB], $0x4000, $0x38;
	[tilespmem:$0x17E80] =	vst v63  }
0x8a: {  	s12 =	simm.s32 @!p2 $0xE  }
0x8b: {  	_ =	swait.ge @!p2 [sflag:s12], $0x4000  }
0x8c: {  	[sflag:s12] =	ssyncset.done @!p2 $0x0  }
0x8d: {  	s13 =	simm.s32 @!p1 $0xF200;
	[sflag:s12] =	ssyncadd.s32 @!p2 $0xFFFFC000;
	s12 =	sadd.s32 @!p1 $0x180, s6  }
0x8e: {  	[tilespmem:s13], [sflag:$0x4] =	stream.indirect.gather @!p1 [hbm4b:s0+s20], $0x80, s12, s20, $0xb8;
	[tilespmem:$0x17E80] =	vst v63  }
0x8f: {  	s12 =	simm.s32 @!p1 $0x3  }
0x90: {  	_ =	swait.ge @!p1 [sflag:s12], $0x4000  }
0x91: {  	[sflag:s12] =	ssyncset.done @!p1 $0x0  }
0x92: {  	s6 =	sadd.s32 @!p1 $0x1A00, s6;
	[sflag:s12] =	ssyncadd.s32 @!p1 $0xFFFFC000  }
0x93: {  	[tilespmem:s21], [sflag:$0x8] =	stream.indirect.gather.add.f32 @!p1 [spmem:s3], $0x80, s6, s20, $0xb8;
	[tilespmem:$0x17E80] =	vst v63  }
0x94: {  	s5 =	sshll.u32 @!p1 s5, $0xE;
	s6 =	simm.s32 @!p1 $0x7  }
0x95: {  	s5 =	sadd.s32 @!p1 s8, s5;
	_ =	swait.ge @!p1 [sflag:s6], $0x4000  }
0x96: {  	s5 =	sshrl.u32 @!p1 s5, $0x3;
	[sflag:s6] =	ssyncset.done @!p1 $0x0  }
0x97: {  	s5 =	sadd.s32 @!p1 s1, s5;
	[sflag:s6] =	ssyncadd.s32 @!p1 $0xFFFFC000  }
0x98: {  	[hbm4b:s5+s19] =	stream.linear.scatter @!p1 [tilespmem:s22], [sflag:$0xC], $0x4000, $0x38;
	[tilespmem:$0x17E80] =	vst v63  }
.Ltmp7:
0x99: {  	p2 =	sgt.u32 s7, $0x2C;
	(pc) =	sbr.rel @p1 .LBB2_12-.Ltmp7, $4  }
0x9a: {  	s5 =	simm.s32 @!p2 $0xF  }
0x9b: {  	_ =	swait.ge @!p2 [sflag:s5], $0x4000  }
0x9c: {  	[sflag:s5] =	ssyncset.done @!p2 $0x0  }
0x9d: {  	[sflag:s5] =	ssyncadd.s32 @!p2 $0xFFFFC000  }
0x9e: {  	s5 =	sshra.s32 s2, $0x2  }
0x9f: {  	s6 =	sadd.s32 $0x200, s5  }
0xa0: {  	[tilespmem:s16], [sflag:$0x5] =	stream.indirect.gather [hbm4b:s0+s15], $0x80, s6, s15, $0xb8;
	[tilespmem:$0x17E80] =	vst v63  }
0xa1: {  	_ =	swait.ge [sflag:s23], $0x4000  }
0xa2: {  	[sflag:s23] =	ssyncset.done $0x0  }
0xa3: {  	s5 =	sadd.s32 $0x1A80, s5;
	[sflag:s23] =	ssyncadd.s32 $0xFFFFC000  }
0xa4: {  	[tilespmem:s24], [sflag:$0x9] =	stream.indirect.gather.add.f32 [spmem:s3], $0x80, s5, s15, $0xb8;
	[tilespmem:$0x17E80] =	vst v63  }
.Ltmp8:
0xa5: {  	_ =	swait.ge [sflag:s25], $0x4000;
	(pc) =	sbr.rel .LBB2_4-.Ltmp8, $4  }
0xa6: {  	[sflag:s25] =	ssyncset.done $0x0  }
0xa7: {  	s9 =	sadd.s32 $0x1, s9;
	s2 =	sadd.s32 $0xA00, s2;
	[sflag:s25] =	ssyncadd.s32 $0xFFFFC000  }
0xa8: {  	[hbm4b:s11+s4] =	stream.linear.scatter [tilespmem:s26], [sflag:$0xD], $0x4000, $0x38;
	[tilespmem:$0x17E80] =	vst v63  }
0xa9: {  	s10 =	sadd.s32 $0x2800, s10;
	s18 =	sadd.s32 $0x5, s18;
	s11 =	sadd.s32 $0x2800, s11  }
.LBB2_13:
0xaa: {  	_ =	sfence.sel $0x180000  }
0xab: {  	[bflag:$0x0] =	sbarrier.arrive $0xFFFF  }
0xac: {  	_ =	strace $0x90000047  }
0xad: {  	[bflag:$0x2] =	sbarrier.arrive $0xFFFF  }
0xae: {  	s0 =	rddreg [dreg:$0x4]  }
0xaf: {  	s0 =	sadd.s32 @!p0 $0x100000, s0  }
0xb0: {  	[sflag:s0] =	ssyncadd.tile.s32 @!p0 $0x1;
	_ =	shalt  }
.Lfunc_end2:
_tile_overlayer_lowered:
.L_overlay_start_2:
0xb1: {  	(tag) =	ssettag $0x2  }
0xb2: {  	s0 =	rddreg [dreg:$0x0];
	s2 =	stileid.u32  }
0xb3: {  	s1 =	rddreg [dreg:$0x1];
	p0 =	sne.s32 s2, $0x0  }
0xb4: {  	s3 =	rddreg [dreg:$0x2];
	[bflag:$0x3] =	sbarrier.arrive $0xFFFF;
	s2 =	simm.s32 @!p0 $0x1C10  }
0xb5: {  	[timem:s3], [sflag:s2] =	dma.local @!p0 [hbm:s0], s1  }
0xb6: {  	s0 =	simm.s32 @!p0 $0x10  }
0xb7: {  	_ =	swait.ge @!p0 [sflag:s0], s1  }
0xb8: {  	s1 =	ssub.s32 @!p0 $0x0, s1;
	[sflag:s0] =	ssyncset.done @!p0 $0x0  }
0xb9: {  	[sflag:s0] =	ssyncadd.s32 @!p0 s1  }
0xba: {  	[bflag:$0x3] =	sbarrier.arrive $0xFFFF  }
0xbb: {  	_ =	shalt  }

</sc_bundles>
